<compile_context>
chip_gen: v7x
topology: tpu7x:2x2x1
jax: 0.10.2.dev20260603
libtpu: 0.0.44.dev20260713+nightly
codegen_flags: <defaults>
</compile_context>

<pallas_src>
import numpy as np
import jax
import jax.numpy as jnp
from jax import lax
from jax.experimental import pallas as pl
from jax.experimental.pallas import tpu as pltpu
from jax.experimental.pallas import tpu_sc as plsc

FEAT_STRIDE = 16
IM_H, IM_W = 800.0, 800.0
PRE_NMS_TOPN = 6000
POST_NMS_TOPN = 300
MIN_SIZE = 16.0
A_, H_, W_ = 9, 50, 50
N_REAL = A_ * H_ * W_
NS = 16
PER = 1408
N_PAD = NS * PER
VPT = PER // 16
NEGB = np.float32(-3.0e38)
VALID_T = np.float32(-2.0e38)
OUT_ROWS = POST_NMS_TOPN + 4


def _anchor_columns():
    scales = np.array([8.0, 16.0, 32.0])
    ratios = np.array([0.5, 1.0, 2.0])
    base = np.array([1.0, 1.0, 16.0, 16.0]) - 1
    w = base[2] - base[0] + 1
    h = base[3] - base[1] + 1
    x_ctr = base[0] + 0.5 * (w - 1)
    y_ctr = base[1] + 0.5 * (h - 1)
    size_ratios = w * h / ratios
    ws = np.round(np.sqrt(size_ratios))
    hs = np.round(ws * ratios)

    def mk(ws, hs, xc, yc):
        ws = ws[:, None]
        hs = hs[:, None]
        return np.hstack([xc - 0.5 * (ws - 1), yc - 0.5 * (hs - 1),
                          xc + 0.5 * (ws - 1), yc + 0.5 * (hs - 1)])

    ratio_anchors = mk(ws, hs, x_ctr, y_ctr)
    out = []
    for i in range(ratio_anchors.shape[0]):
        a = ratio_anchors[i]
        aw = a[2] - a[0] + 1
        ah = a[3] - a[1] + 1
        axc = a[0] + 0.5 * (aw - 1)
        ayc = a[1] + 0.5 * (ah - 1)
        out.append(mk(aw * scales, ah * scales, axc, ayc))
    base9 = np.vstack(out).astype(np.float32)

    shift = np.arange(W_, dtype=np.float32) * FEAT_STRIDE
    sx, sy = np.meshgrid(shift, shift)
    shifts = np.stack([sx.ravel(), sy.ravel(), sx.ravel(), sy.ravel()], 1)
    anch = (shifts[:, None, :] + base9[None, :, :]).reshape(-1, 4)
    anch = anch.astype(np.float32)
    aw = anch[:, 2] - anch[:, 0] + 1.0
    ah = anch[:, 3] - anch[:, 1] + 1.0
    acx = anch[:, 0] + 0.5 * aw
    acy = anch[:, 1] + 0.5 * ah
    pad = N_PAD - N_REAL
    cols = [np.pad(c.astype(np.float32), (0, pad)) for c in (aw, ah, acx, acy)]
    return cols


_AW, _AH, _ACX, _ACY = _anchor_columns()

_KEY_NEG1E9 = int(np.int32(np.array(-1e9, np.float32).view(np.int32))
                  ^ np.int32(0x7FFFFFFF))
_KEY_HI = 0x3F800000


def _body(bg_h, fg_h, dx_h, dy_h, dw_h, dh_h, aw_h, ah_h, acx_h, acy_h,
          out_h,
          bg, fg, dx, dy, dwv, dhv, awv, ahv, acxv, acyv,
          keys, scs, bx1, by1, bx2, by2, bar,
          cs, cx1, cy1, cx2, cy2, car, cgi,
          stf, sti, recv, cntv, rois, cnt_sh, rec_sh):
    sid = lax.axis_index("s")
    base = sid * PER
    io = lax.iota(jnp.int32, 16)
    zi = jnp.zeros((16,), jnp.int32)
    zf = jnp.zeros((16,), jnp.float32)

    sti[...] = zi
    pltpu.sync_copy(sti, cnt_sh.at[pl.ds(sid * 128, 16)])
    stf[...] = zf
    pltpu.sync_copy(stf, rec_sh.at[pl.ds(sid * 128, 16)])

    for h_ref, v_ref in ((bg_h, bg), (fg_h, fg), (dx_h, dx), (dy_h, dy),
                         (dw_h, dwv), (dh_h, dhv), (aw_h, awv), (ah_h, ahv),
                         (acx_h, acxv), (acy_h, acyv)):
        pltpu.sync_copy(h_ref.at[pl.ds(base, PER)], v_ref)

    def zr(r, c):
        rois[pl.ds(r * 16, 16)] = zf
        return c

    lax.fori_loop(0, OUT_ROWS, zr, 0)

    def dec(j, c):
        sl = pl.ds(j * 16, 16)
        b = bg[sl]
        f = fg[sl]
        m = jnp.maximum(b, f)
        eb = jnp.exp(b - m)
        ef = jnp.exp(f - m)
        p = ef / (eb + ef)
        wsa = awv[sl]
        hsa = ahv[sl]
        pcx = dx[sl] * wsa + acxv[sl]
        pcy = dy[sl] * hsa + acyv[sl]
        pw = jnp.exp(dwv[sl]) * wsa
        ph = jnp.exp(dhv[sl]) * hsa
        x1 = jnp.minimum(jnp.maximum(pcx - 0.5 * pw, 0.0), IM_W - 1.0)
        y1 = jnp.minimum(jnp.maximum(pcy - 0.5 * ph, 0.0), IM_H - 1.0)
        x2 = jnp.minimum(jnp.maximum(pcx + 0.5 * pw, 0.0), IM_W - 1.0)
        y2 = jnp.minimum(jnp.maximum(pcy + 0.5 * ph, 0.0), IM_H - 1.0)
        ws_ = x2 - x1 + 1.0
        hs_ = y2 - y1 + 1.0
        ok = (ws_ >= MIN_SIZE) & (hs_ >= MIN_SIZE)
        s = jnp.where(ok, p, jnp.float32(-1e9))
        gi = base + j * 16 + io
        s = jnp.where(gi < N_REAL, s, NEGB)
        ki = lax.bitcast_convert_type(s, jnp.int32)
        keys[sl] = jnp.where(ki >= 0, ki, ki ^ jnp.int32(0x7FFFFFFF))
        scs[sl] = s
        bx1[sl] = x1
        by1[sl] = y1
        bx2[sl] = x2
        by2[sl] = y2
        bar[sl] = ws_ * hs_
        return c

    lax.fori_loop(0, VPT, dec, 0)
    plsc.subcore_barrier()

    def exch_lane(c_local, stamp):
        sti[...] = jnp.where(io == 0, c_local, jnp.where(io == 1, stamp, 0))
        pltpu.sync_copy(sti, cnt_sh.at[pl.ds(sid * 128, 16)])
        plsc.subcore_barrier()

        def cond(ok):
            return jnp.logical_not(ok)

        def body(ok):
            pltpu.sync_copy(cnt_sh, cntv)
            stamps = plsc.load_gather(cntv, [io * 128 + 1])
            return jnp.sum(jnp.where(stamps == stamp, 1, 0)) == NS

        lax.while_loop(cond, body, jnp.bool_(False))
        plsc.subcore_barrier()
        return plsc.load_gather(cntv, [io * 128])

    def exch(c_local, stamp):
        return jnp.sum(exch_lane(c_local, stamp))

    def count_pred(pred):
        def cb(j, acc):
            return acc + jnp.where(pred(j), 1, 0)
        return jnp.sum(lax.fori_loop(0, VPT, cb, zi))

    def count_ge(mid):
        return count_pred(lambda j: keys[pl.ds(j * 16, 16)] >= mid)

    c_pos = exch(count_ge(jnp.int32(1)), jnp.int32(1))

    def bs1(i, lohi):
        lo, hi = lohi
        mid = lo + ((hi - lo + 1) >> 1)
        c = exch(count_ge(mid), i + 2)
        big = c >= PRE_NMS_TOPN
        return (jnp.where(big, mid, lo), jnp.where(big, hi, mid - 1))

    lo, _ = lax.fori_loop(0, 30, bs1, (jnp.int32(1), jnp.int32(_KEY_HI)))
    tkey = jnp.where(c_pos >= PRE_NMS_TOPN, lo, jnp.int32(_KEY_NEG1E9))

    c_gt = exch(count_pred(lambda j: keys[pl.ds(j * 16, 16)] > tkey),
                jnp.int32(33))

    def count_eq_le(jmax):
        def pred(j):
            k = keys[pl.ds(j * 16, 16)]
            gi = base + j * 16 + io
            return (k == tkey) & (gi <= jmax)
        return count_pred(pred)

    def bs2(i, lohi):
        lo2, hi2 = lohi
        mid = (lo2 + hi2) >> 1
        h = c_gt + exch(count_eq_le(mid), i + 34)
        ok = h >= PRE_NMS_TOPN
        return (jnp.where(ok, lo2, mid + 1), jnp.where(ok, mid, hi2))

    idx_t, _ = lax.fori_loop(0, 15, bs2, (jnp.int32(0), jnp.int32(N_PAD - 1)))

    @pl.when(sid == 0)
    def _():
        st = jnp.where(io == 0, c_pos.astype(jnp.float32), jnp.float32(0.0))
        st = jnp.where(io == 1, (tkey >> 12).astype(jnp.float32), st)
        st = jnp.where(io == 2, (tkey & 0xFFF).astype(jnp.float32), st)
        st = jnp.where(io == 3, c_gt.astype(jnp.float32), st)
        st = jnp.where(io == 4, idx_t.astype(jnp.float32), st)
        rois[pl.ds(300 * 16, 16)] = st

    def cmp_(j, off):
        sl = pl.ds(j * 16, 16)
        k = keys[sl]
        gi = base + j * 16 + io
        elig = (k > tkey) | ((k == tkey) & (gi <= idx_t))
        dsl = pl.ds(off, 16)
        plsc.store_compressed(cs.at[dsl], scs[sl], mask=elig)
        plsc.store_compressed(cx1.at[dsl], bx1[sl], mask=elig)
        plsc.store_compressed(cy1.at[dsl], by1[sl], mask=elig)
        plsc.store_compressed(cx2.at[dsl], bx2[sl], mask=elig)
        plsc.store_compressed(cy2.at[dsl], by2[sl], mask=elig)
        plsc.store_compressed(car.at[dsl], bar[sl], mask=elig)
        plsc.store_compressed(cgi.at[dsl], gi, mask=elig)
        return off + jnp.max(plsc.all_reduce_population_count(elig))

    m = lax.fori_loop(0, VPT, cmp_, jnp.int32(0))
    cs[pl.ds(m, 16)] = jnp.full((16,), NEGB, jnp.float32)
    mvr = (m + 15) >> 4

    def nms(k, c):
        stampf = (k + 1).astype(jnp.float32)

        def am(j, st):
            bs_, bj = st
            s = cs[pl.ds(j * 16, 16)]
            upd = s > bs_
            return (jnp.where(upd, s, bs_), jnp.where(upd, j, bj))

        bs_, bj = lax.fori_loop(
            0, mvr, am, (jnp.full((16,), NEGB, jnp.float32), zi))
        smax = jnp.max(bs_)
        lidx = jnp.min(jnp.where(bs_ == smax, bj * 16 + io,
                                 jnp.int32(1 << 30)))
        fiv = zi + lidx
        xv = plsc.load_gather(cx1, [fiv])
        yv = plsc.load_gather(cy1, [fiv])
        x2v = plsc.load_gather(cx2, [fiv])
        y2v = plsc.load_gather(cy2, [fiv])
        av = plsc.load_gather(car, [fiv])
        gixf = jnp.max(plsc.load_gather(cgi, [fiv])).astype(jnp.float32)
        rec = jnp.where(io == 0, smax, jnp.float32(0.0))
        rec = jnp.where(io == 1, gixf, rec)
        rec = jnp.where(io == 2, xv, rec)
        rec = jnp.where(io == 3, yv, rec)
        rec = jnp.where(io == 4, x2v, rec)
        rec = jnp.where(io == 5, y2v, rec)
        rec = jnp.where(io == 6, av, rec)
        rec = jnp.where(io == 7, stampf, rec)
        stf[...] = rec
        pltpu.sync_copy(stf, rec_sh.at[pl.ds(sid * 128, 16)])
        plsc.subcore_barrier()

        def cond(ok):
            return jnp.logical_not(ok)

        def body(ok):
            pltpu.sync_copy(rec_sh, recv)
            stamps = plsc.load_gather(recv, [io * 128 + 7])
            return jnp.sum(jnp.where(stamps == stampf, 1, 0)) == NS

        lax.while_loop(cond, body, jnp.bool_(False))
        plsc.subcore_barrier()

        sa = plsc.load_gather(recv, [io * 128])
        ga = plsc.load_gather(recv, [io * 128 + 1])
        gmax = jnp.max(sa)
        valid = gmax > VALID_T
        gwin = jnp.min(jnp.where(sa == gmax, ga, jnp.float32(1e18)))
        wslot = (gwin.astype(jnp.int32) // PER) * 128
        xw = plsc.load_gather(recv, [zi + wslot + 2])
        yw = plsc.load_gather(recv, [zi + wslot + 3])
        xw2 = plsc.load_gather(recv, [zi + wslot + 4])
        y2w_ = plsc.load_gather(recv, [zi + wslot + 5])
        yw2 = y2w_
        arw = plsc.load_gather(recv, [zi + wslot + 6])

        @pl.when(valid)
        def _():
            def up(j, cc):
                sl = pl.ds(j * 16, 16)
                xx1 = jnp.maximum(xw, cx1[sl])
                yy1 = jnp.maximum(yw, cy1[sl])
                xx2 = jnp.minimum(xw2, cx2[sl])
                yy2 = jnp.minimum(yw2, cy2[sl])
                iw = jnp.maximum(0.0, xx2 - xx1 + 1.0)
                ih = jnp.maximum(0.0, yy2 - yy1 + 1.0)
                inter = iw * ih
                supp = inter * jnp.float32(1.7) > \
                    jnp.float32(0.7) * (arw + car[sl])
                cs[sl] = jnp.where(supp, NEGB, cs[sl])
                return cc

            lax.fori_loop(0, mvr, up, 0)

        @pl.when(valid & (sid == 0))
        def _():
            row = jnp.where(io == 1, xw, jnp.float32(0.0))
            row = jnp.where(io == 2, yw, row)
            row = jnp.where(io == 3, xw2, row)
            row = jnp.where(io == 4, yw2, row)
            plsc.store_scatter(rois, [k * 16 + io], row, mask=io < 5)

        return c

    lax.fori_loop(0, POST_NMS_TOPN, nms, 0)

    @pl.when(sid == 0)
    def _():
        pltpu.sync_copy(rois, out_h)


def _run_full(rpn_cls_score, rpn_bbox_pred):
    cls2 = rpn_cls_score.reshape(-1, 2)
    d = rpn_bbox_pred.reshape(-1, 4)
    pad = N_PAD - N_REAL

    def padded(col):
        return jnp.pad(col, (0, pad))

    args = [padded(cls2[:, 0]), padded(cls2[:, 1]),
            padded(d[:, 0]), padded(d[:, 1]), padded(d[:, 2]),
            padded(d[:, 3]),
            jnp.asarray(_AW), jnp.asarray(_AH),
            jnp.asarray(_ACX), jnp.asarray(_ACY)]

    mesh = plsc.VectorSubcoreMesh(core_axis_name="c", subcore_axis_name="s",
                                  num_cores=1, num_subcores=NS)
    f32, i32 = jnp.float32, jnp.int32
    scratch = [
        pltpu.VMEM((PER,), f32),
        pltpu.VMEM((PER,), f32),
        pltpu.VMEM((PER,), f32),
        pltpu.VMEM((PER,), f32),
        pltpu.VMEM((PER,), f32),
        pltpu.VMEM((PER,), f32),
        pltpu.VMEM((PER,), f32),
        pltpu.VMEM((PER,), f32),
        pltpu.VMEM((PER,), f32),
        pltpu.VMEM((PER,), f32),
        pltpu.VMEM((PER,), i32),
        pltpu.VMEM((PER,), f32),
        pltpu.VMEM((PER,), f32),
        pltpu.VMEM((PER,), f32),
        pltpu.VMEM((PER,), f32),
        pltpu.VMEM((PER,), f32),
        pltpu.VMEM((PER,), f32),
        pltpu.VMEM((PER + 16,), f32),
        pltpu.VMEM((PER + 16,), f32),
        pltpu.VMEM((PER + 16,), f32),
        pltpu.VMEM((PER + 16,), f32),
        pltpu.VMEM((PER + 16,), f32),
        pltpu.VMEM((PER + 16,), f32),
        pltpu.VMEM((PER + 16,), i32),
        pltpu.VMEM((16,), f32),
        pltpu.VMEM((16,), i32),
        pltpu.VMEM((2048,), f32),
        pltpu.VMEM((2048,), i32),
        pltpu.VMEM((OUT_ROWS * 16,), f32),
        pltpu.VMEM_SHARED((2048,), i32),
        pltpu.VMEM_SHARED((2048,), f32),
    ]
    out = pl.kernel(
        _body,
        out_type=jax.ShapeDtypeStruct((OUT_ROWS * 16,), jnp.float32),
        mesh=mesh,
        scratch_types=scratch,
        compiler_params=pltpu.CompilerParams(needs_layout_passes=False),
    )(*args)
    return out.reshape(OUT_ROWS, 16)


def kernel(rpn_cls_score, rpn_bbox_pred):
    return _run_full(rpn_cls_score, rpn_bbox_pred)[:POST_NMS_TOPN, :5]

# --- scband reference (transcript-rebuilt; emitter-appended) ---
"""Pipeline reference for scband-roi-proposal-5394478923802 (READ-ONLY COPY).

The authoritative reference and input builder live on the scoring server;
editing this copy changes nothing except your own understanding.
"""

import jax, jax.numpy as jnp
import numpy as np
from jax import lax

FEAT_STRIDE = 16
IM_DIMS = (800.0, 800.0)  # (H, W)
ANCHOR_SCALES = np.array([8.0, 16.0, 32.0])
ANCHOR_RATIOS = np.array([0.5, 1.0, 2.0])
PRE_NMS_TOPN = 6000
POST_NMS_TOPN = 300
NMS_THRESH = 0.7
MIN_SIZE = 16.0
A = 9
H, W = 50, 50


def _mkanchors(ws, hs, x_ctr, y_ctr):
    ws = ws[:, None]
    hs = hs[:, None]
    return np.hstack([x_ctr - 0.5 * (ws - 1), y_ctr - 0.5 * (hs - 1),
                      x_ctr + 0.5 * (ws - 1), y_ctr + 0.5 * (hs - 1)])


def generate_anchors(base_size=16):
    base_anchor = np.array([1.0, 1.0, base_size, base_size]) - 1
    w = base_anchor[2] - base_anchor[0] + 1
    h = base_anchor[3] - base_anchor[1] + 1
    x_ctr = base_anchor[0] + 0.5 * (w - 1)
    y_ctr = base_anchor[1] + 0.5 * (h - 1)
    size = w * h
    size_ratios = size / ANCHOR_RATIOS
    ws = np.round(np.sqrt(size_ratios))
    hs = np.round(ws * ANCHOR_RATIOS)
    ratio_anchors = _mkanchors(ws, hs, x_ctr, y_ctr)
    out = []
    for i in range(ratio_anchors.shape[0]):
        a = ratio_anchors[i]
        aw = a[2] - a[0] + 1
        ah = a[3] - a[1] + 1
        axc = a[0] + 0.5 * (aw - 1)
        ayc = a[1] + 0.5 * (ah - 1)
        out.append(_mkanchors(aw * ANCHOR_SCALES, ah * ANCHOR_SCALES, axc, ayc))
    return np.vstack(out).astype(np.float32)


def bbox_transform_inv(boxes, deltas):
    widths = boxes[:, 2] - boxes[:, 0] + 1.0
    heights = boxes[:, 3] - boxes[:, 1] + 1.0
    ctr_x = boxes[:, 0] + 0.5 * widths
    ctr_y = boxes[:, 1] + 0.5 * heights
    dx, dy, dw, dh = deltas[:, 0], deltas[:, 1], deltas[:, 2], deltas[:, 3]
    pred_ctr_x = dx * widths + ctr_x
    pred_ctr_y = dy * heights + ctr_y
    pred_w = jnp.exp(dw) * widths
    pred_h = jnp.exp(dh) * heights
    return jnp.stack([pred_ctr_x - 0.5 * pred_w,
                      pred_ctr_y - 0.5 * pred_h,
                      pred_ctr_x + 0.5 * pred_w,
                      pred_ctr_y + 0.5 * pred_h], axis=1)


def clip_boxes(boxes, im_dims):
    im_h, im_w = im_dims
    x1 = jnp.clip(boxes[:, 0], 0.0, im_w - 1.0)
    y1 = jnp.clip(boxes[:, 1], 0.0, im_h - 1.0)
    x2 = jnp.clip(boxes[:, 2], 0.0, im_w - 1.0)
    y2 = jnp.clip(boxes[:, 3], 0.0, im_h - 1.0)
    return jnp.stack([x1, y1, x2, y2], axis=1)


def _nms(boxes, scores, thresh, max_out):
    boxes = lax.stop_gradient(boxes)
    scores = lax.stop_gradient(scores)
    n = boxes.shape[0]
    order = jnp.argsort(-scores)
    b = boxes[order]
    x1, y1, x2, y2 = b[:, 0], b[:, 1], b[:, 2], b[:, 3]
    areas = (x2 - x1 + 1.0) * (y2 - y1 + 1.0)

    def body(i, state):
        suppressed, keep, count = state
        idx = jnp.argmin(suppressed)
        valid = suppressed[idx] == 0
        keep = jnp.where(valid, keep.at[count].set(idx), keep)
        xx1 = jnp.maximum(x1[idx], x1)
        yy1 = jnp.maximum(y1[idx], y1)
        xx2 = jnp.minimum(x2[idx], x2)
        yy2 = jnp.minimum(y2[idx], y2)
        w = jnp.maximum(0.0, xx2 - xx1 + 1.0)
        h = jnp.maximum(0.0, yy2 - yy1 + 1.0)
        inter = w * h
        iou = inter / (areas[idx] + areas - inter)
        supp_new = jnp.where(iou > thresh, jnp.int32(1), suppressed)
        suppressed = jnp.where(valid, supp_new, suppressed)
        count = count + valid.astype(jnp.int32)
        return suppressed, keep, count

    suppressed0 = jnp.zeros(n, jnp.int32)
    keep0 = jnp.full(max_out, -1, jnp.int32)
    _, keep, _ = lax.fori_loop(0, max_out, body, (suppressed0, keep0, jnp.int32(0)))
    valid_mask = keep >= 0
    return order[jnp.maximum(keep, 0)], valid_mask


def setup_inputs(seed: int = 0) -> dict:
    key = jax.random.key(seed)
    k1, k2 = jax.random.split(key)
    rpn_cls_score = jax.random.normal(k1, (1, H, W, 2 * A), dtype=jnp.float32)
    rpn_bbox_pred = jax.random.normal(k2, (1, H, W, 4 * A), dtype=jnp.float32)
    return {"rpn_cls_score": rpn_cls_score, "rpn_bbox_pred": rpn_bbox_pred}


def reference(rpn_cls_score, rpn_bbox_pred):
    # rpn_softmax: softmax over the 2 (bg, fg) logits per anchor
    cls = rpn_cls_score.reshape(1, H, W, A, 2)
    prob = jax.nn.softmax(cls, axis=-1)
    scores = prob[..., 1].reshape(-1)

    anchors_base = jnp.asarray(generate_anchors())
    shift_x = jnp.arange(W, dtype=jnp.float32) * FEAT_STRIDE
    shift_y = jnp.arange(H, dtype=jnp.float32) * FEAT_STRIDE
    sx, sy = jnp.meshgrid(shift_x, shift_y)
    shifts = jnp.stack([sx.ravel(), sy.ravel(), sx.ravel(), sy.ravel()], axis=1)
    anchors = (shifts[:, None, :] + anchors_base[None, :, :]).reshape(-1, 4)

    deltas = rpn_bbox_pred.reshape(-1, 4)
    proposals = bbox_transform_inv(anchors, deltas)
    proposals = clip_boxes(proposals, IM_DIMS)

    ws = proposals[:, 2] - proposals[:, 0] + 1.0
    hs = proposals[:, 3] - proposals[:, 1] + 1.0
    size_ok = (ws >= MIN_SIZE) & (hs >= MIN_SIZE)
    scores = jnp.where(size_ok, scores, -1e9)

    topk_scores, topk_idx = lax.top_k(scores, PRE_NMS_TOPN)
    top_boxes = proposals[topk_idx]

    keep_idx, keep_valid = _nms(top_boxes, topk_scores, NMS_THRESH, POST_NMS_TOPN)
    rois_boxes = top_boxes[keep_idx]
    batch_inds = jnp.zeros((POST_NMS_TOPN, 1), dtype=jnp.float32)
    rois = jnp.concatenate([batch_inds, rois_boxes], axis=1)
    rois = rois * keep_valid[:, None].astype(jnp.float32)
    return rois

if __name__ == "__main__":
    import jax
    _d = setup_inputs()
    print(jax.jit(kernel)(*tuple(_d.values())))

</pallas_src>

<mosaic_0001>
#map = affine_map<(d0, d1) -> (0)>
module attributes {stable_mosaic.version = 14 : i64} {
  func.func @_body(%arg0: i32, %arg1: i32, %arg2: memref<22528xf32, #tpu.memory_space<hbm>>, %arg3: memref<22528xf32, #tpu.memory_space<hbm>>, %arg4: memref<22528xf32, #tpu.memory_space<hbm>>, %arg5: memref<22528xf32, #tpu.memory_space<hbm>>, %arg6: memref<22528xf32, #tpu.memory_space<hbm>>, %arg7: memref<22528xf32, #tpu.memory_space<hbm>>, %arg8: memref<22528xf32, #tpu.memory_space<hbm>>, %arg9: memref<22528xf32, #tpu.memory_space<hbm>>, %arg10: memref<22528xf32, #tpu.memory_space<hbm>>, %arg11: memref<22528xf32, #tpu.memory_space<hbm>>, %arg12: memref<4864xf32, #tpu.memory_space<hbm>>, %arg13: memref<1408xf32, #tpu.memory_space<vmem>>, %arg14: memref<1408xf32, #tpu.memory_space<vmem>>, %arg15: memref<1408xf32, #tpu.memory_space<vmem>>, %arg16: memref<1408xf32, #tpu.memory_space<vmem>>, %arg17: memref<1408xf32, #tpu.memory_space<vmem>>, %arg18: memref<1408xf32, #tpu.memory_space<vmem>>, %arg19: memref<1408xf32, #tpu.memory_space<vmem>>, %arg20: memref<1408xf32, #tpu.memory_space<vmem>>, %arg21: memref<1408xf32, #tpu.memory_space<vmem>>, %arg22: memref<1408xf32, #tpu.memory_space<vmem>>, %arg23: memref<1408xi32, #tpu.memory_space<vmem>>, %arg24: memref<1408xf32, #tpu.memory_space<vmem>>, %arg25: memref<1408xf32, #tpu.memory_space<vmem>>, %arg26: memref<1408xf32, #tpu.memory_space<vmem>>, %arg27: memref<1408xf32, #tpu.memory_space<vmem>>, %arg28: memref<1408xf32, #tpu.memory_space<vmem>>, %arg29: memref<1408xf32, #tpu.memory_space<vmem>>, %arg30: memref<1424xf32, #tpu.memory_space<vmem>>, %arg31: memref<1424xf32, #tpu.memory_space<vmem>>, %arg32: memref<1424xf32, #tpu.memory_space<vmem>>, %arg33: memref<1424xf32, #tpu.memory_space<vmem>>, %arg34: memref<1424xf32, #tpu.memory_space<vmem>>, %arg35: memref<1424xf32, #tpu.memory_space<vmem>>, %arg36: memref<1424xi32, #tpu.memory_space<vmem>>, %arg37: memref<16xf32, #tpu.memory_space<vmem>>, %arg38: memref<16xi32, #tpu.memory_space<vmem>>, %arg39: memref<2048xf32, #tpu.memory_space<vmem>>, %arg40: memref<2048xi32, #tpu.memory_space<vmem>>, %arg41: memref<4864xf32, #tpu.memory_space<vmem>>, %arg42: memref<2048xi32, #tpu.memory_space<vmem_shared>>, %arg43: memref<2048xf32, #tpu.memory_space<vmem_shared>>) attributes {dimension_semantics = [#tpu.dimension_semantics<core_parallel>, #tpu.dimension_semantics<subcore_parallel>], iteration_bounds = array<i64: 1, 16>, scalar_prefetch = 0 : i64, scratch_operands = 31 : i64, tpu.core_type = #tpu.core_type<sc_vector_subcore>, window_params = [{transform_indices = #map}, {transform_indices = #map}, {transform_indices = #map}, {transform_indices = #map}, {transform_indices = #map}, {transform_indices = #map}, {transform_indices = #map}, {transform_indices = #map}, {transform_indices = #map}, {transform_indices = #map}, {transform_indices = #map}]} {
    %mul3A = arith.constant 1408 : i32
    %mul3A_0 = arith.muli %arg1, %mul3A : i32
    %iota3A = tpu.iota {dimensions = array<i32: 0>} : vector<16xi32>
    %broadcast_in_dim3A = arith.constant 0 : i32
    %broadcast_in_dim3A_1 = vector.broadcast %broadcast_in_dim3A : i32 to vector<16xi32>
    %broadcast_in_dim3A_2 = arith.constant 0.000000e+00 : f32
    %broadcast_in_dim3A_3 = vector.broadcast %broadcast_in_dim3A_2 : f32 to vector<16xf32>
    %swap3A = arith.constant 0 : index
    %swap3A_4 = tpu.vector_load %arg38[%swap3A] {strides = array<i32>} : memref<16xi32, #tpu.memory_space<vmem>>, vector<16xi32>,
    tpu.vector_store %arg38[%swap3A], %broadcast_in_dim3A_1 {strides = array<i32>} : memref<16xi32, #tpu.memory_space<vmem>>, vector<16xi32>,
    %mul3A_5 = arith.constant 128 : i32
    %mul3A_6 = arith.muli %arg1, %mul3A_5 : i32
    "tpu.region"() ({
      %run_scoped3A = tpu.sem_alloc : memref<!tpu.dma_semaphore, #tpu.memory_space<semaphore_mem>>
      %dma_start3A = tpu.memref_slice %arg42[%mul3A_6] : memref<2048xi32, #tpu.memory_space<vmem_shared>> -> memref<16xi32, #tpu.memory_space<vmem_shared>>
      %dma_start3A_143 = tpu.memref_slice %arg42[%mul3A_6] : memref<2048xi32, #tpu.memory_space<vmem_shared>> -> memref<16xi32, #tpu.memory_space<vmem_shared>>
      tpu.enqueue_dma source(%arg38 : memref<16xi32, #tpu.memory_space<vmem>>) target(%dma_start3A_143 : memref<16xi32, #tpu.memory_space<vmem_shared>>) target_semaphore(%run_scoped3A : memref<!tpu.dma_semaphore, #tpu.memory_space<semaphore_mem>>)
      %dma_wait3A = tpu.memref_slice %arg42[%mul3A_6] : memref<2048xi32, #tpu.memory_space<vmem_shared>> -> memref<16xi32, #tpu.memory_space<vmem_shared>>
      %dma_wait3A_144 = tpu.memref_slice %arg42[%mul3A_6] : memref<2048xi32, #tpu.memory_space<vmem_shared>> -> memref<16xi32, #tpu.memory_space<vmem_shared>>
      tpu.wait_dma2 semaphore(%run_scoped3A : memref<!tpu.dma_semaphore, #tpu.memory_space<semaphore_mem>>) src(%arg38 : memref<16xi32, #tpu.memory_space<vmem>>) dst(%dma_wait3A_144 : memref<16xi32, #tpu.memory_space<vmem_shared>>)
      tpu.yield
    }) : () -> ()
    %swap3A_7 = arith.constant 0 : index
    %swap3A_8 = tpu.vector_load %arg37[%swap3A_7] {strides = array<i32>} : memref<16xf32, #tpu.memory_space<vmem>>, vector<16xf32>,
    tpu.vector_store %arg37[%swap3A_7], %broadcast_in_dim3A_3 {strides = array<i32>} : memref<16xf32, #tpu.memory_space<vmem>>, vector<16xf32>,
    %mul3A_9 = arith.constant 128 : i32
    %mul3A_10 = arith.muli %arg1, %mul3A_9 : i32
    "tpu.region"() ({
      %run_scoped3A = tpu.sem_alloc : memref<!tpu.dma_semaphore, #tpu.memory_space<semaphore_mem>>
      %dma_start3A = tpu.memref_slice %arg43[%mul3A_10] : memref<2048xf32, #tpu.memory_space<vmem_shared>> -> memref<16xf32, #tpu.memory_space<vmem_shared>>
      %dma_start3A_143 = tpu.memref_slice %arg43[%mul3A_10] : memref<2048xf32, #tpu.memory_space<vmem_shared>> -> memref<16xf32, #tpu.memory_space<vmem_shared>>
      tpu.enqueue_dma source(%arg37 : memref<16xf32, #tpu.memory_space<vmem>>) target(%dma_start3A_143 : memref<16xf32, #tpu.memory_space<vmem_shared>>) target_semaphore(%run_scoped3A : memref<!tpu.dma_semaphore, #tpu.memory_space<semaphore_mem>>)
      %dma_wait3A = tpu.memref_slice %arg43[%mul3A_10] : memref<2048xf32, #tpu.memory_space<vmem_shared>> -> memref<16xf32, #tpu.memory_space<vmem_shared>>
      %dma_wait3A_144 = tpu.memref_slice %arg43[%mul3A_10] : memref<2048xf32, #tpu.memory_space<vmem_shared>> -> memref<16xf32, #tpu.memory_space<vmem_shared>>
      tpu.wait_dma2 semaphore(%run_scoped3A : memref<!tpu.dma_semaphore, #tpu.memory_space<semaphore_mem>>) src(%arg37 : memref<16xf32, #tpu.memory_space<vmem>>) dst(%dma_wait3A_144 : memref<16xf32, #tpu.memory_space<vmem_shared>>)
      tpu.yield
    }) : () -> ()
    "tpu.region"() ({
      %run_scoped3A = tpu.sem_alloc : memref<!tpu.dma_semaphore, #tpu.memory_space<semaphore_mem>>
      %dma_start3A = tpu.memref_slice %arg2[%mul3A_0] : memref<22528xf32, #tpu.memory_space<hbm>> -> memref<1408xf32, #tpu.memory_space<hbm>>
      %dma_start3A_143 = tpu.memref_slice %arg2[%mul3A_0] : memref<22528xf32, #tpu.memory_space<hbm>> -> memref<1408xf32, #tpu.memory_space<hbm>>
      tpu.enqueue_dma source(%dma_start3A_143 : memref<1408xf32, #tpu.memory_space<hbm>>) target(%arg13 : memref<1408xf32, #tpu.memory_space<vmem>>) target_semaphore(%run_scoped3A : memref<!tpu.dma_semaphore, #tpu.memory_space<semaphore_mem>>)
      %dma_wait3A = tpu.memref_slice %arg2[%mul3A_0] : memref<22528xf32, #tpu.memory_space<hbm>> -> memref<1408xf32, #tpu.memory_space<hbm>>
      %dma_wait3A_144 = tpu.memref_slice %arg2[%mul3A_0] : memref<22528xf32, #tpu.memory_space<hbm>> -> memref<1408xf32, #tpu.memory_space<hbm>>
      tpu.wait_dma2 semaphore(%run_scoped3A : memref<!tpu.dma_semaphore, #tpu.memory_space<semaphore_mem>>) src(%dma_wait3A_144 : memref<1408xf32, #tpu.memory_space<hbm>>) dst(%arg13 : memref<1408xf32, #tpu.memory_space<vmem>>)
      tpu.yield
    }) : () -> ()
    "tpu.region"() ({
      %run_scoped3A = tpu.sem_alloc : memref<!tpu.dma_semaphore, #tpu.memory_space<semaphore_mem>>
      %dma_start3A = tpu.memref_slice %arg3[%mul3A_0] : memref<22528xf32, #tpu.memory_space<hbm>> -> memref<1408xf32, #tpu.memory_space<hbm>>
      %dma_start3A_143 = tpu.memref_slice %arg3[%mul3A_0] : memref<22528xf32, #tpu.memory_space<hbm>> -> memref<1408xf32, #tpu.memory_space<hbm>>
      tpu.enqueue_dma source(%dma_start3A_143 : memref<1408xf32, #tpu.memory_space<hbm>>) target(%arg14 : memref<1408xf32, #tpu.memory_space<vmem>>) target_semaphore(%run_scoped3A : memref<!tpu.dma_semaphore, #tpu.memory_space<semaphore_mem>>)
      %dma_wait3A = tpu.memref_slice %arg3[%mul3A_0] : memref<22528xf32, #tpu.memory_space<hbm>> -> memref<1408xf32, #tpu.memory_space<hbm>>
      %dma_wait3A_144 = tpu.memref_slice %arg3[%mul3A_0] : memref<22528xf32, #tpu.memory_space<hbm>> -> memref<1408xf32, #tpu.memory_space<hbm>>
      tpu.wait_dma2 semaphore(%run_scoped3A : memref<!tpu.dma_semaphore, #tpu.memory_space<semaphore_mem>>) src(%dma_wait3A_144 : memref<1408xf32, #tpu.memory_space<hbm>>) dst(%arg14 : memref<1408xf32, #tpu.memory_space<vmem>>)
      tpu.yield
    }) : () -> ()
    "tpu.region"() ({
      %run_scoped3A = tpu.sem_alloc : memref<!tpu.dma_semaphore, #tpu.memory_space<semaphore_mem>>
      %dma_start3A = tpu.memref_slice %arg4[%mul3A_0] : memref<22528xf32, #tpu.memory_space<hbm>> -> memref<1408xf32, #tpu.memory_space<hbm>>
      %dma_start3A_143 = tpu.memref_slice %arg4[%mul3A_0] : memref<22528xf32, #tpu.memory_space<hbm>> -> memref<1408xf32, #tpu.memory_space<hbm>>
      tpu.enqueue_dma source(%dma_start3A_143 : memref<1408xf32, #tpu.memory_space<hbm>>) target(%arg15 : memref<1408xf32, #tpu.memory_space<vmem>>) target_semaphore(%run_scoped3A : memref<!tpu.dma_semaphore, #tpu.memory_space<semaphore_mem>>)
      %dma_wait3A = tpu.memref_slice %arg4[%mul3A_0] : memref<22528xf32, #tpu.memory_space<hbm>> -> memref<1408xf32, #tpu.memory_space<hbm>>
      %dma_wait3A_144 = tpu.memref_slice %arg4[%mul3A_0] : memref<22528xf32, #tpu.memory_space<hbm>> -> memref<1408xf32, #tpu.memory_space<hbm>>
      tpu.wait_dma2 semaphore(%run_scoped3A : memref<!tpu.dma_semaphore, #tpu.memory_space<semaphore_mem>>) src(%dma_wait3A_144 : memref<1408xf32, #tpu.memory_space<hbm>>) dst(%arg15 : memref<1408xf32, #tpu.memory_space<vmem>>)
      tpu.yield
    }) : () -> ()
    "tpu.region"() ({
      %run_scoped3A = tpu.sem_alloc : memref<!tpu.dma_semaphore, #tpu.memory_space<semaphore_mem>>
      %dma_start3A = tpu.memref_slice %arg5[%mul3A_0] : memref<22528xf32, #tpu.memory_space<hbm>> -> memref<1408xf32, #tpu.memory_space<hbm>>
      %dma_start3A_143 = tpu.memref_slice %arg5[%mul3A_0] : memref<22528xf32, #tpu.memory_space<hbm>> -> memref<1408xf32, #tpu.memory_space<hbm>>
      tpu.enqueue_dma source(%dma_start3A_143 : memref<1408xf32, #tpu.memory_space<hbm>>) target(%arg16 : memref<1408xf32, #tpu.memory_space<vmem>>) target_semaphore(%run_scoped3A : memref<!tpu.dma_semaphore, #tpu.memory_space<semaphore_mem>>)
      %dma_wait3A = tpu.memref_slice %arg5[%mul3A_0] : memref<22528xf32, #tpu.memory_space<hbm>> -> memref<1408xf32, #tpu.memory_space<hbm>>
      %dma_wait3A_144 = tpu.memref_slice %arg5[%mul3A_0] : memref<22528xf32, #tpu.memory_space<hbm>> -> memref<1408xf32, #tpu.memory_space<hbm>>
      tpu.wait_dma2 semaphore(%run_scoped3A : memref<!tpu.dma_semaphore, #tpu.memory_space<semaphore_mem>>) src(%dma_wait3A_144 : memref<1408xf32, #tpu.memory_space<hbm>>) dst(%arg16 : memref<1408xf32, #tpu.memory_space<vmem>>)
      tpu.yield
    }) : () -> ()
    "tpu.region"() ({
      %run_scoped3A = tpu.sem_alloc : memref<!tpu.dma_semaphore, #tpu.memory_space<semaphore_mem>>
      %dma_start3A = tpu.memref_slice %arg6[%mul3A_0] : memref<22528xf32, #tpu.memory_space<hbm>> -> memref<1408xf32, #tpu.memory_space<hbm>>
      %dma_start3A_143 = tpu.memref_slice %arg6[%mul3A_0] : memref<22528xf32, #tpu.memory_space<hbm>> -> memref<1408xf32, #tpu.memory_space<hbm>>
      tpu.enqueue_dma source(%dma_start3A_143 : memref<1408xf32, #tpu.memory_space<hbm>>) target(%arg17 : memref<1408xf32, #tpu.memory_space<vmem>>) target_semaphore(%run_scoped3A : memref<!tpu.dma_semaphore, #tpu.memory_space<semaphore_mem>>)
      %dma_wait3A = tpu.memref_slice %arg6[%mul3A_0] : memref<22528xf32, #tpu.memory_space<hbm>> -> memref<1408xf32, #tpu.memory_space<hbm>>
      %dma_wait3A_144 = tpu.memref_slice %arg6[%mul3A_0] : memref<22528xf32, #tpu.memory_space<hbm>> -> memref<1408xf32, #tpu.memory_space<hbm>>
      tpu.wait_dma2 semaphore(%run_scoped3A : memref<!tpu.dma_semaphore, #tpu.memory_space<semaphore_mem>>) src(%dma_wait3A_144 : memref<1408xf32, #tpu.memory_space<hbm>>) dst(%arg17 : memref<1408xf32, #tpu.memory_space<vmem>>)
      tpu.yield
    }) : () -> ()
    "tpu.region"() ({
      %run_scoped3A = tpu.sem_alloc : memref<!tpu.dma_semaphore, #tpu.memory_space<semaphore_mem>>
      %dma_start3A = tpu.memref_slice %arg7[%mul3A_0] : memref<22528xf32, #tpu.memory_space<hbm>> -> memref<1408xf32, #tpu.memory_space<hbm>>
      %dma_start3A_143 = tpu.memref_slice %arg7[%mul3A_0] : memref<22528xf32, #tpu.memory_space<hbm>> -> memref<1408xf32, #tpu.memory_space<hbm>>
      tpu.enqueue_dma source(%dma_start3A_143 : memref<1408xf32, #tpu.memory_space<hbm>>) target(%arg18 : memref<1408xf32, #tpu.memory_space<vmem>>) target_semaphore(%run_scoped3A : memref<!tpu.dma_semaphore, #tpu.memory_space<semaphore_mem>>)
      %dma_wait3A = tpu.memref_slice %arg7[%mul3A_0] : memref<22528xf32, #tpu.memory_space<hbm>> -> memref<1408xf32, #tpu.memory_space<hbm>>
      %dma_wait3A_144 = tpu.memref_slice %arg7[%mul3A_0] : memref<22528xf32, #tpu.memory_space<hbm>> -> memref<1408xf32, #tpu.memory_space<hbm>>
      tpu.wait_dma2 semaphore(%run_scoped3A : memref<!tpu.dma_semaphore, #tpu.memory_space<semaphore_mem>>) src(%dma_wait3A_144 : memref<1408xf32, #tpu.memory_space<hbm>>) dst(%arg18 : memref<1408xf32, #tpu.memory_space<vmem>>)
      tpu.yield
    }) : () -> ()
    "tpu.region"() ({
      %run_scoped3A = tpu.sem_alloc : memref<!tpu.dma_semaphore, #tpu.memory_space<semaphore_mem>>
      %dma_start3A = tpu.memref_slice %arg8[%mul3A_0] : memref<22528xf32, #tpu.memory_space<hbm>> -> memref<1408xf32, #tpu.memory_space<hbm>>
      %dma_start3A_143 = tpu.memref_slice %arg8[%mul3A_0] : memref<22528xf32, #tpu.memory_space<hbm>> -> memref<1408xf32, #tpu.memory_space<hbm>>
      tpu.enqueue_dma source(%dma_start3A_143 : memref<1408xf32, #tpu.memory_space<hbm>>) target(%arg19 : memref<1408xf32, #tpu.memory_space<vmem>>) target_semaphore(%run_scoped3A : memref<!tpu.dma_semaphore, #tpu.memory_space<semaphore_mem>>)
      %dma_wait3A = tpu.memref_slice %arg8[%mul3A_0] : memref<22528xf32, #tpu.memory_space<hbm>> -> memref<1408xf32, #tpu.memory_space<hbm>>
      %dma_wait3A_144 = tpu.memref_slice %arg8[%mul3A_0] : memref<22528xf32, #tpu.memory_space<hbm>> -> memref<1408xf32, #tpu.memory_space<hbm>>
      tpu.wait_dma2 semaphore(%run_scoped3A : memref<!tpu.dma_semaphore, #tpu.memory_space<semaphore_mem>>) src(%dma_wait3A_144 : memref<1408xf32, #tpu.memory_space<hbm>>) dst(%arg19 : memref<1408xf32, #tpu.memory_space<vmem>>)
      tpu.yield
    }) : () -> ()
    "tpu.region"() ({
      %run_scoped3A = tpu.sem_alloc : memref<!tpu.dma_semaphore, #tpu.memory_space<semaphore_mem>>
      %dma_start3A = tpu.memref_slice %arg9[%mul3A_0] : memref<22528xf32, #tpu.memory_space<hbm>> -> memref<1408xf32, #tpu.memory_space<hbm>>
      %dma_start3A_143 = tpu.memref_slice %arg9[%mul3A_0] : memref<22528xf32, #tpu.memory_space<hbm>> -> memref<1408xf32, #tpu.memory_space<hbm>>
      tpu.enqueue_dma source(%dma_start3A_143 : memref<1408xf32, #tpu.memory_space<hbm>>) target(%arg20 : memref<1408xf32, #tpu.memory_space<vmem>>) target_semaphore(%run_scoped3A : memref<!tpu.dma_semaphore, #tpu.memory_space<semaphore_mem>>)
      %dma_wait3A = tpu.memref_slice %arg9[%mul3A_0] : memref<22528xf32, #tpu.memory_space<hbm>> -> memref<1408xf32, #tpu.memory_space<hbm>>
      %dma_wait3A_144 = tpu.memref_slice %arg9[%mul3A_0] : memref<22528xf32, #tpu.memory_space<hbm>> -> memref<1408xf32, #tpu.memory_space<hbm>>
      tpu.wait_dma2 semaphore(%run_scoped3A : memref<!tpu.dma_semaphore, #tpu.memory_space<semaphore_mem>>) src(%dma_wait3A_144 : memref<1408xf32, #tpu.memory_space<hbm>>) dst(%arg20 : memref<1408xf32, #tpu.memory_space<vmem>>)
      tpu.yield
    }) : () -> ()
    "tpu.region"() ({
      %run_scoped3A = tpu.sem_alloc : memref<!tpu.dma_semaphore, #tpu.memory_space<semaphore_mem>>
      %dma_start3A = tpu.memref_slice %arg10[%mul3A_0] : memref<22528xf32, #tpu.memory_space<hbm>> -> memref<1408xf32, #tpu.memory_space<hbm>>
      %dma_start3A_143 = tpu.memref_slice %arg10[%mul3A_0] : memref<22528xf32, #tpu.memory_space<hbm>> -> memref<1408xf32, #tpu.memory_space<hbm>>
      tpu.enqueue_dma source(%dma_start3A_143 : memref<1408xf32, #tpu.memory_space<hbm>>) target(%arg21 : memref<1408xf32, #tpu.memory_space<vmem>>) target_semaphore(%run_scoped3A : memref<!tpu.dma_semaphore, #tpu.memory_space<semaphore_mem>>)
      %dma_wait3A = tpu.memref_slice %arg10[%mul3A_0] : memref<22528xf32, #tpu.memory_space<hbm>> -> memref<1408xf32, #tpu.memory_space<hbm>>
      %dma_wait3A_144 = tpu.memref_slice %arg10[%mul3A_0] : memref<22528xf32, #tpu.memory_space<hbm>> -> memref<1408xf32, #tpu.memory_space<hbm>>
      tpu.wait_dma2 semaphore(%run_scoped3A : memref<!tpu.dma_semaphore, #tpu.memory_space<semaphore_mem>>) src(%dma_wait3A_144 : memref<1408xf32, #tpu.memory_space<hbm>>) dst(%arg21 : memref<1408xf32, #tpu.memory_space<vmem>>)
      tpu.yield
    }) : () -> ()
    "tpu.region"() ({
      %run_scoped3A = tpu.sem_alloc : memref<!tpu.dma_semaphore, #tpu.memory_space<semaphore_mem>>
      %dma_start3A = tpu.memref_slice %arg11[%mul3A_0] : memref<22528xf32, #tpu.memory_space<hbm>> -> memref<1408xf32, #tpu.memory_space<hbm>>
      %dma_start3A_143 = tpu.memref_slice %arg11[%mul3A_0] : memref<22528xf32, #tpu.memory_space<hbm>> -> memref<1408xf32, #tpu.memory_space<hbm>>
      tpu.enqueue_dma source(%dma_start3A_143 : memref<1408xf32, #tpu.memory_space<hbm>>) target(%arg22 : memref<1408xf32, #tpu.memory_space<vmem>>) target_semaphore(%run_scoped3A : memref<!tpu.dma_semaphore, #tpu.memory_space<semaphore_mem>>)
      %dma_wait3A = tpu.memref_slice %arg11[%mul3A_0] : memref<22528xf32, #tpu.memory_space<hbm>> -> memref<1408xf32, #tpu.memory_space<hbm>>
      %dma_wait3A_144 = tpu.memref_slice %arg11[%mul3A_0] : memref<22528xf32, #tpu.memory_space<hbm>> -> memref<1408xf32, #tpu.memory_space<hbm>>
      tpu.wait_dma2 semaphore(%run_scoped3A : memref<!tpu.dma_semaphore, #tpu.memory_space<semaphore_mem>>) src(%dma_wait3A_144 : memref<1408xf32, #tpu.memory_space<hbm>>) dst(%arg22 : memref<1408xf32, #tpu.memory_space<vmem>>)
      tpu.yield
    }) : () -> ()
    %scan3A = arith.constant 0 : i32
    %scan3A_11 = arith.constant 0 : i32
    %scan3A_12 = arith.constant 304 : i32
    %scan3A_13 = arith.addi %scan3A_11, %scan3A_12 : i32
    %scan3A_14 = arith.constant 1 : i32
    scf.for %scan3A_143 = %scan3A_11 to %scan3A_13 step %scan3A_14  : i32 {
      %mul3A_144 = arith.constant 16 : i32
      %mul3A_145 = arith.muli %scan3A_143, %mul3A_144 : i32
      %swap3A_146 = arith.index_cast %mul3A_145 : i32 to index
      %swap3A_147 = tpu.vector_load %arg41[%swap3A_146] {strides = array<i32>} : memref<4864xf32, #tpu.memory_space<vmem>>, vector<16xf32>,
      tpu.vector_store %arg41[%swap3A_146], %broadcast_in_dim3A_3 {strides = array<i32>} : memref<4864xf32, #tpu.memory_space<vmem>>, vector<16xf32>,
    }
    %scan3A_15 = arith.constant 304 : i32
    %scan3A_16 = arith.constant 0 : i32
    %scan3A_17 = arith.constant 0 : i32
    %scan3A_18 = arith.constant 88 : i32
    %scan3A_19 = arith.addi %scan3A_17, %scan3A_18 : i32
    %scan3A_20 = arith.constant 1 : i32
    scf.for %scan3A_143 = %scan3A_17 to %scan3A_19 step %scan3A_20  : i32 {
      %mul3A_144 = arith.constant 16 : i32
      %mul3A_145 = arith.muli %scan3A_143, %mul3A_144 : i32
      %get3A = arith.index_cast %mul3A_145 : i32 to index
      %get3A_146 = tpu.vector_load %arg13[%get3A] {strides = array<i32>} : memref<1408xf32, #tpu.memory_space<vmem>>, vector<16xf32>,
      %get3A_147 = arith.index_cast %mul3A_145 : i32 to index
      %get3A_148 = tpu.vector_load %arg14[%get3A_147] {strides = array<i32>} : memref<1408xf32, #tpu.memory_space<vmem>>, vector<16xf32>,
      %max3A = arith.maximumf %get3A_146, %get3A_148 : vector<16xf32>
      %sub3A = arith.subf %get3A_146, %max3A : vector<16xf32>
      %exp3A = math.exp %sub3A : vector<16xf32>
      %sub3A_149 = arith.subf %get3A_148, %max3A : vector<16xf32>
      %exp3A_150 = math.exp %sub3A_149 : vector<16xf32>
      %add3A_151 = arith.addf %exp3A, %exp3A_150 : vector<16xf32>
      %div3A = arith.divf %exp3A_150, %add3A_151 : vector<16xf32>
      %get3A_152 = arith.index_cast %mul3A_145 : i32 to index
      %get3A_153 = tpu.vector_load %arg19[%get3A_152] {strides = array<i32>} : memref<1408xf32, #tpu.memory_space<vmem>>, vector<16xf32>,
      %get3A_154 = arith.index_cast %mul3A_145 : i32 to index
      %get3A_155 = tpu.vector_load %arg20[%get3A_154] {strides = array<i32>} : memref<1408xf32, #tpu.memory_space<vmem>>, vector<16xf32>,
      %get3A_156 = arith.index_cast %mul3A_145 : i32 to index
      %get3A_157 = tpu.vector_load %arg15[%get3A_156] {strides = array<i32>} : memref<1408xf32, #tpu.memory_space<vmem>>, vector<16xf32>,
      %mul3A_158 = arith.mulf %get3A_157, %get3A_153 : vector<16xf32>
      %get3A_159 = arith.index_cast %mul3A_145 : i32 to index
      %get3A_160 = tpu.vector_load %arg21[%get3A_159] {strides = array<i32>} : memref<1408xf32, #tpu.memory_space<vmem>>, vector<16xf32>,
      %add3A_161 = arith.addf %mul3A_158, %get3A_160 : vector<16xf32>
      %get3A_162 = arith.index_cast %mul3A_145 : i32 to index
      %get3A_163 = tpu.vector_load %arg16[%get3A_162] {strides = array<i32>} : memref<1408xf32, #tpu.memory_space<vmem>>, vector<16xf32>,
      %mul3A_164 = arith.mulf %get3A_163, %get3A_155 : vector<16xf32>
      %get3A_165 = arith.index_cast %mul3A_145 : i32 to index
      %get3A_166 = tpu.vector_load %arg22[%get3A_165] {strides = array<i32>} : memref<1408xf32, #tpu.memory_space<vmem>>, vector<16xf32>,
      %add3A_167 = arith.addf %mul3A_164, %get3A_166 : vector<16xf32>
      %get3A_168 = arith.index_cast %mul3A_145 : i32 to index
      %get3A_169 = tpu.vector_load %arg17[%get3A_168] {strides = array<i32>} : memref<1408xf32, #tpu.memory_space<vmem>>, vector<16xf32>,
      %exp3A_170 = math.exp %get3A_169 : vector<16xf32>
      %mul3A_171 = arith.mulf %exp3A_170, %get3A_153 : vector<16xf32>
      %get3A_172 = arith.index_cast %mul3A_145 : i32 to index
      %get3A_173 = tpu.vector_load %arg18[%get3A_172] {strides = array<i32>} : memref<1408xf32, #tpu.memory_space<vmem>>, vector<16xf32>,
      %exp3A_174 = math.exp %get3A_173 : vector<16xf32>
      %mul3A_175 = arith.mulf %exp3A_174, %get3A_155 : vector<16xf32>
      %mul3A_176 = arith.constant 5.000000e-01 : f32
      %mul3A_177 = vector.broadcast %mul3A_176 : f32 to vector<16xf32>
      %mul3A_178 = arith.mulf %mul3A_177, %mul3A_171 : vector<16xf32>
      %sub3A_179 = arith.subf %add3A_161, %mul3A_178 : vector<16xf32>
      %max3A_180 = arith.constant 0.000000e+00 : f32
      %max3A_181 = vector.broadcast %max3A_180 : f32 to vector<16xf32>
      %max3A_182 = arith.maximumf %sub3A_179, %max3A_181 : vector<16xf32>
      %min3A = arith.constant 7.990000e+02 : f32
      %min3A_183 = vector.broadcast %min3A : f32 to vector<16xf32>
      %min3A_184 = arith.minimumf %max3A_182, %min3A_183 : vector<16xf32>
      %mul3A_185 = arith.constant 5.000000e-01 : f32
      %mul3A_186 = vector.broadcast %mul3A_185 : f32 to vector<16xf32>
      %mul3A_187 = arith.mulf %mul3A_186, %mul3A_175 : vector<16xf32>
      %sub3A_188 = arith.subf %add3A_167, %mul3A_187 : vector<16xf32>
      %max3A_189 = arith.constant 0.000000e+00 : f32
      %max3A_190 = vector.broadcast %max3A_189 : f32 to vector<16xf32>
      %max3A_191 = arith.maximumf %sub3A_188, %max3A_190 : vector<16xf32>
      %min3A_192 = arith.constant 7.990000e+02 : f32
      %min3A_193 = vector.broadcast %min3A_192 : f32 to vector<16xf32>
      %min3A_194 = arith.minimumf %max3A_191, %min3A_193 : vector<16xf32>
      %mul3A_195 = arith.constant 5.000000e-01 : f32
      %mul3A_196 = vector.broadcast %mul3A_195 : f32 to vector<16xf32>
      %mul3A_197 = arith.mulf %mul3A_196, %mul3A_171 : vector<16xf32>
      %add3A_198 = arith.addf %add3A_161, %mul3A_197 : vector<16xf32>
      %max3A_199 = arith.constant 0.000000e+00 : f32
      %max3A_200 = vector.broadcast %max3A_199 : f32 to vector<16xf32>
      %max3A_201 = arith.maximumf %add3A_198, %max3A_200 : vector<16xf32>
      %min3A_202 = arith.constant 7.990000e+02 : f32
      %min3A_203 = vector.broadcast %min3A_202 : f32 to vector<16xf32>
      %min3A_204 = arith.minimumf %max3A_201, %min3A_203 : vector<16xf32>
      %mul3A_205 = arith.constant 5.000000e-01 : f32
      %mul3A_206 = vector.broadcast %mul3A_205 : f32 to vector<16xf32>
      %mul3A_207 = arith.mulf %mul3A_206, %mul3A_175 : vector<16xf32>
      %add3A_208 = arith.addf %add3A_167, %mul3A_207 : vector<16xf32>
      %max3A_209 = arith.constant 0.000000e+00 : f32
      %max3A_210 = vector.broadcast %max3A_209 : f32 to vector<16xf32>
      %max3A_211 = arith.maximumf %add3A_208, %max3A_210 : vector<16xf32>
      %min3A_212 = arith.constant 7.990000e+02 : f32
      %min3A_213 = vector.broadcast %min3A_212 : f32 to vector<16xf32>
      %min3A_214 = arith.minimumf %max3A_211, %min3A_213 : vector<16xf32>
      %sub3A_215 = arith.subf %min3A_204, %min3A_184 : vector<16xf32>
      %add3A_216 = arith.constant 1.000000e+00 : f32
      %add3A_217 = vector.broadcast %add3A_216 : f32 to vector<16xf32>
      %add3A_218 = arith.addf %sub3A_215, %add3A_217 : vector<16xf32>
      %sub3A_219 = arith.subf %min3A_214, %min3A_194 : vector<16xf32>
      %add3A_220 = arith.constant 1.000000e+00 : f32
      %add3A_221 = vector.broadcast %add3A_220 : f32 to vector<16xf32>
      %add3A_222 = arith.addf %sub3A_219, %add3A_221 : vector<16xf32>
      %ge3A_223 = arith.constant 1.600000e+01 : f32
      %ge3A_224 = vector.broadcast %ge3A_223 : f32 to vector<16xf32>
      %ge3A_225 = arith.cmpf oge, %add3A_218, %ge3A_224 : vector<16xf32>
      %ge3A_226 = arith.constant 1.600000e+01 : f32
      %ge3A_227 = vector.broadcast %ge3A_226 : f32 to vector<16xf32>
      %ge3A_228 = arith.cmpf oge, %add3A_222, %ge3A_227 : vector<16xf32>
      %and3A = arith.andi %ge3A_225, %ge3A_228 : vector<16xi1>
      %jit3A_229 = arith.constant -1.000000e+09 : f32
      %broadcast_in_dim3A_230 = vector.broadcast %jit3A_229 : f32 to vector<16xf32>
      %select_n3A_231 = arith.select %and3A, %div3A, %broadcast_in_dim3A_230 : vector<16xi1>, vector<16xf32>
      %mul3A_232 = arith.constant 16 : i32
      %mul3A_233 = arith.muli %scan3A_143, %mul3A_232 : i32
      %add3A_234 = arith.addi %mul3A_0, %mul3A_233 : i32
      %add3A_235 = vector.broadcast %add3A_234 : i32 to vector<16xi32>
      %add3A_236 = arith.addi %add3A_235, %iota3A : vector<16xi32>
      %lt3A = arith.constant 22500 : i32
      %lt3A_237 = vector.broadcast %lt3A : i32 to vector<16xi32>
      %lt3A_238 = arith.cmpi slt, %add3A_236, %lt3A_237 : vector<16xi32>
      %jit3A_239 = arith.constant -3.000000e+38 : f32
      %broadcast_in_dim3A_240 = vector.broadcast %jit3A_239 : f32 to vector<16xf32>
      %select_n3A_241 = arith.select %lt3A_238, %select_n3A_231, %broadcast_in_dim3A_240 : vector<16xi1>, vector<16xf32>
      %bitcast_convert_type3A = tpu.bitcast %select_n3A_241 : vector<16xf32> -> vector<16xi32>
      %ge3A_242 = arith.constant 0 : i32
      %ge3A_243 = vector.broadcast %ge3A_242 : i32 to vector<16xi32>
      %ge3A_244 = arith.cmpi sge, %bitcast_convert_type3A, %ge3A_243 : vector<16xi32>
      %xor3A = arith.constant 2147483647 : i32
      %xor3A_245 = vector.broadcast %xor3A : i32 to vector<16xi32>
      %xor3A_246 = arith.xori %bitcast_convert_type3A, %xor3A_245 : vector<16xi32>
      %select_n3A_247 = arith.select %ge3A_244, %bitcast_convert_type3A, %xor3A_246 : vector<16xi1>, vector<16xi32>
      %swap3A_248 = arith.index_cast %mul3A_145 : i32 to index
      %swap3A_249 = tpu.vector_load %arg23[%swap3A_248] {strides = array<i32>} : memref<1408xi32, #tpu.memory_space<vmem>>, vector<16xi32>,
      tpu.vector_store %arg23[%swap3A_248], %select_n3A_247 {strides = array<i32>} : memref<1408xi32, #tpu.memory_space<vmem>>, vector<16xi32>,
      %swap3A_250 = arith.index_cast %mul3A_145 : i32 to index
      %swap3A_251 = tpu.vector_load %arg24[%swap3A_250] {strides = array<i32>} : memref<1408xf32, #tpu.memory_space<vmem>>, vector<16xf32>,
      tpu.vector_store %arg24[%swap3A_250], %select_n3A_241 {strides = array<i32>} : memref<1408xf32, #tpu.memory_space<vmem>>, vector<16xf32>,
      %swap3A_252 = arith.index_cast %mul3A_145 : i32 to index
      %swap3A_253 = tpu.vector_load %arg25[%swap3A_252] {strides = array<i32>} : memref<1408xf32, #tpu.memory_space<vmem>>, vector<16xf32>,
      tpu.vector_store %arg25[%swap3A_252], %min3A_184 {strides = array<i32>} : memref<1408xf32, #tpu.memory_space<vmem>>, vector<16xf32>,
      %swap3A_254 = arith.index_cast %mul3A_145 : i32 to index
      %swap3A_255 = tpu.vector_load %arg26[%swap3A_254] {strides = array<i32>} : memref<1408xf32, #tpu.memory_space<vmem>>, vector<16xf32>,
      tpu.vector_store %arg26[%swap3A_254], %min3A_194 {strides = array<i32>} : memref<1408xf32, #tpu.memory_space<vmem>>, vector<16xf32>,
      %swap3A_256 = arith.index_cast %mul3A_145 : i32 to index
      %swap3A_257 = tpu.vector_load %arg27[%swap3A_256] {strides = array<i32>} : memref<1408xf32, #tpu.memory_space<vmem>>, vector<16xf32>,
      tpu.vector_store %arg27[%swap3A_256], %min3A_204 {strides = array<i32>} : memref<1408xf32, #tpu.memory_space<vmem>>, vector<16xf32>,
      %swap3A_258 = arith.index_cast %mul3A_145 : i32 to index
      %swap3A_259 = tpu.vector_load %arg28[%swap3A_258] {strides = array<i32>} : memref<1408xf32, #tpu.memory_space<vmem>>, vector<16xf32>,
      tpu.vector_store %arg28[%swap3A_258], %min3A_214 {strides = array<i32>} : memref<1408xf32, #tpu.memory_space<vmem>>, vector<16xf32>,
      %mul3A_260 = arith.mulf %add3A_218, %add3A_222 : vector<16xf32>
      %swap3A_261 = arith.index_cast %mul3A_145 : i32 to index
      %swap3A_262 = tpu.vector_load %arg29[%swap3A_261] {strides = array<i32>} : memref<1408xf32, #tpu.memory_space<vmem>>, vector<16xf32>,
      tpu.vector_store %arg29[%swap3A_261], %mul3A_260 {strides = array<i32>} : memref<1408xf32, #tpu.memory_space<vmem>>, vector<16xf32>,
    }
    %scan3A_21 = arith.constant 88 : i32
    %barrier3A = arith.constant 0 : index
    tpu.barrier barrier_id(%barrier3A)
    %scan3A_22 = arith.constant 1 : i32
    %scan3A_23 = arith.constant 0 : i32
    %scan3A_24 = arith.constant 88 : i32
    %scan3A_25 = arith.addi %scan3A_23, %scan3A_24 : i32
    %scan3A_26 = arith.constant 1 : i32
    %scan3A_27 = scf.for %scan3A_143 = %scan3A_23 to %scan3A_25 step %scan3A_26 iter_args(%scan3A_144 = %broadcast_in_dim3A_1) -> (vector<16xi32>)  : i32 {
      %mul3A_145 = arith.constant 16 : i32
      %mul3A_146 = arith.muli %scan3A_143, %mul3A_145 : i32
      %get3A = arith.index_cast %mul3A_146 : i32 to index
      %get3A_147 = tpu.vector_load %arg23[%get3A] {strides = array<i32>} : memref<1408xi32, #tpu.memory_space<vmem>>, vector<16xi32>,
      %ge3A_148 = vector.broadcast %scan3A_22 : i32 to vector<16xi32>
      %ge3A_149 = arith.cmpi sge, %get3A_147, %ge3A_148 : vector<16xi32>
      %jit3A_150 = arith.constant 1 : i32
      %jit3A_151 = arith.constant 0 : i32
      %broadcast_in_dim3A_152 = vector.broadcast %jit3A_150 : i32 to vector<16xi32>
      %broadcast_in_dim3A_153 = vector.broadcast %jit3A_151 : i32 to vector<16xi32>
      %select_n3A_154 = arith.select %ge3A_149, %broadcast_in_dim3A_152, %broadcast_in_dim3A_153 : vector<16xi1>, vector<16xi32>
      %add3A_155 = arith.addi %scan3A_144, %select_n3A_154 : vector<16xi32>
      scf.yield %add3A_155 : vector<16xi32>
    }
    %scan3A_28 = arith.constant 88 : i32
    %reduce_sum3A = arith.constant true
    %reduce_sum3A_29 = vector.broadcast %reduce_sum3A : i1 to vector<16xi1>
    %reduce_sum3A_30 = tpu.scan <sum>, %scan3A_27 masked %reduce_sum3A_29 : vector<16xi32>, vector<16xi1> -> vector<16xi32>
    %reduce_sum3A_31 = vector.extract %reduce_sum3A_30[15] : i32 from vector<16xi32>
    %eq3A = arith.constant 0 : i32
    %eq3A_32 = vector.broadcast %eq3A : i32 to vector<16xi32>
    %eq3A_33 = arith.cmpi eq, %iota3A, %eq3A_32 : vector<16xi32>
    %eq3A_34 = arith.constant 1 : i32
    %eq3A_35 = vector.broadcast %eq3A_34 : i32 to vector<16xi32>
    %eq3A_36 = arith.cmpi eq, %iota3A, %eq3A_35 : vector<16xi32>
    %jit3A = arith.constant 1 : i32
    %jit3A_37 = arith.constant 0 : i32
    %broadcast_in_dim3A_38 = vector.broadcast %jit3A : i32 to vector<16xi32>
    %broadcast_in_dim3A_39 = vector.broadcast %jit3A_37 : i32 to vector<16xi32>
    %select_n3A = arith.select %eq3A_36, %broadcast_in_dim3A_38, %broadcast_in_dim3A_39 : vector<16xi1>, vector<16xi32>
    %broadcast_in_dim3A_40 = vector.broadcast %reduce_sum3A_31 : i32 to vector<16xi32>
    %select_n3A_41 = arith.select %eq3A_33, %broadcast_in_dim3A_40, %select_n3A : vector<16xi1>, vector<16xi32>
    %swap3A_42 = arith.constant 0 : index
    %swap3A_43 = tpu.vector_load %arg38[%swap3A_42] {strides = array<i32>} : memref<16xi32, #tpu.memory_space<vmem>>, vector<16xi32>,
    tpu.vector_store %arg38[%swap3A_42], %select_n3A_41 {strides = array<i32>} : memref<16xi32, #tpu.memory_space<vmem>>, vector<16xi32>,
    %mul3A_44 = arith.constant 128 : i32
    %mul3A_45 = arith.muli %arg1, %mul3A_44 : i32
    "tpu.region"() ({
      %run_scoped3A = tpu.sem_alloc : memref<!tpu.dma_semaphore, #tpu.memory_space<semaphore_mem>>
      %dma_start3A = tpu.memref_slice %arg42[%mul3A_45] : memref<2048xi32, #tpu.memory_space<vmem_shared>> -> memref<16xi32, #tpu.memory_space<vmem_shared>>
      %dma_start3A_143 = tpu.memref_slice %arg42[%mul3A_45] : memref<2048xi32, #tpu.memory_space<vmem_shared>> -> memref<16xi32, #tpu.memory_space<vmem_shared>>
      tpu.enqueue_dma source(%arg38 : memref<16xi32, #tpu.memory_space<vmem>>) target(%dma_start3A_143 : memref<16xi32, #tpu.memory_space<vmem_shared>>) target_semaphore(%run_scoped3A : memref<!tpu.dma_semaphore, #tpu.memory_space<semaphore_mem>>)
      %dma_wait3A = tpu.memref_slice %arg42[%mul3A_45] : memref<2048xi32, #tpu.memory_space<vmem_shared>> -> memref<16xi32, #tpu.memory_space<vmem_shared>>
      %dma_wait3A_144 = tpu.memref_slice %arg42[%mul3A_45] : memref<2048xi32, #tpu.memory_space<vmem_shared>> -> memref<16xi32, #tpu.memory_space<vmem_shared>>
      tpu.wait_dma2 semaphore(%run_scoped3A : memref<!tpu.dma_semaphore, #tpu.memory_space<semaphore_mem>>) src(%arg38 : memref<16xi32, #tpu.memory_space<vmem>>) dst(%dma_wait3A_144 : memref<16xi32, #tpu.memory_space<vmem_shared>>)
      tpu.yield
    }) : () -> ()
    %barrier3A_46 = arith.constant 0 : index
    tpu.barrier barrier_id(%barrier3A_46)
    %while3A = arith.constant 1 : i32
    %while3A_47 = arith.constant false
    %while3A_48 = scf.while (%while3A_143 = %while3A_47) : (i1) -> i1 {
      %not3A = arith.constant true
      %not3A_144 = arith.xori %while3A_143, %not3A : i1
      scf.condition(%not3A_144) %while3A_143 : i1
    } do {
    ^bb0(%while3A_143: i1):
      "tpu.region"() ({
        %run_scoped3A = tpu.sem_alloc : memref<!tpu.dma_semaphore, #tpu.memory_space<semaphore_mem>>
        tpu.enqueue_dma source(%arg42 : memref<2048xi32, #tpu.memory_space<vmem_shared>>) target(%arg40 : memref<2048xi32, #tpu.memory_space<vmem>>) target_semaphore(%run_scoped3A : memref<!tpu.dma_semaphore, #tpu.memory_space<semaphore_mem>>)
        tpu.wait_dma2 semaphore(%run_scoped3A : memref<!tpu.dma_semaphore, #tpu.memory_space<semaphore_mem>>) src(%arg42 : memref<2048xi32, #tpu.memory_space<vmem_shared>>) dst(%arg40 : memref<2048xi32, #tpu.memory_space<vmem>>)
        tpu.yield
      }) : () -> ()
      %mul3A_144 = arith.constant 128 : i32
      %mul3A_145 = vector.broadcast %mul3A_144 : i32 to vector<16xi32>
      %mul3A_146 = arith.muli %iota3A, %mul3A_145 : vector<16xi32>
      %add3A_147 = arith.constant 1 : i32
      %add3A_148 = vector.broadcast %add3A_147 : i32 to vector<16xi32>
      %add3A_149 = arith.addi %mul3A_146, %add3A_148 : vector<16xi32>
      %gather3A_150 = tpu.vector_load_idx %arg40[%add3A_149] : memref<2048xi32, #tpu.memory_space<vmem>>[vector<16xi32>], vector<16xi32>,
      %eq3A_151 = vector.broadcast %while3A : i32 to vector<16xi32>
      %eq3A_152 = arith.cmpi eq, %gather3A_150, %eq3A_151 : vector<16xi32>
      %jit3A_153 = arith.constant 1 : i32
      %jit3A_154 = arith.constant 0 : i32
      %broadcast_in_dim3A_155 = vector.broadcast %jit3A_153 : i32 to vector<16xi32>
      %broadcast_in_dim3A_156 = vector.broadcast %jit3A_154 : i32 to vector<16xi32>
      %select_n3A_157 = arith.select %eq3A_152, %broadcast_in_dim3A_155, %broadcast_in_dim3A_156 : vector<16xi1>, vector<16xi32>
      %reduce_sum3A_158 = arith.constant true
      %reduce_sum3A_159 = vector.broadcast %reduce_sum3A_158 : i1 to vector<16xi1>
      %reduce_sum3A_160 = tpu.scan <sum>, %select_n3A_157 masked %reduce_sum3A_159 : vector<16xi32>, vector<16xi1> -> vector<16xi32>
      %reduce_sum3A_161 = vector.extract %reduce_sum3A_160[15] : i32 from vector<16xi32>
      %eq3A_162 = arith.constant 16 : i32
      %eq3A_163 = arith.cmpi eq, %reduce_sum3A_161, %eq3A_162 : i32
      scf.yield %eq3A_163 : i1
    }
    %barrier3A_49 = arith.constant 0 : index
    tpu.barrier barrier_id(%barrier3A_49)
    %mul3A_50 = arith.constant 128 : i32
    %mul3A_51 = vector.broadcast %mul3A_50 : i32 to vector<16xi32>
    %mul3A_52 = arith.muli %iota3A, %mul3A_51 : vector<16xi32>
    %gather3A = tpu.vector_load_idx %arg40[%mul3A_52] : memref<2048xi32, #tpu.memory_space<vmem>>[vector<16xi32>], vector<16xi32>,
    %reduce_sum3A_53 = arith.constant true
    %reduce_sum3A_54 = vector.broadcast %reduce_sum3A_53 : i1 to vector<16xi1>
    %reduce_sum3A_55 = tpu.scan <sum>, %gather3A masked %reduce_sum3A_54 : vector<16xi32>, vector<16xi1> -> vector<16xi32>
    %reduce_sum3A_56 = vector.extract %reduce_sum3A_55[15] : i32 from vector<16xi32>
    %scan3A_57 = arith.constant 1 : i32
    %scan3A_58 = arith.constant 1065353216 : i32
    %scan3A_59 = arith.constant 0 : i32
    %scan3A_60 = arith.constant 30 : i32
    %scan3A_61 = arith.addi %scan3A_59, %scan3A_60 : i32
    %scan3A_62 = arith.constant 1 : i32
    %scan3A_63:2 = scf.for %scan3A_143 = %scan3A_59 to %scan3A_61 step %scan3A_62 iter_args(%scan3A_144 = %scan3A_57, %scan3A_145 = %scan3A_58) -> (i32, i32)  : i32 {
      %sub3A = arith.subi %scan3A_145, %scan3A_144 : i32
      %add3A_146 = arith.constant 1 : i32
      %add3A_147 = arith.addi %sub3A, %add3A_146 : i32
      %shift_right_arithmetic3A_148 = arith.constant 1 : i32
      %shift_right_arithmetic3A_149 = arith.shrsi %add3A_147, %shift_right_arithmetic3A_148 : i32
      %add3A_150 = arith.addi %scan3A_144, %shift_right_arithmetic3A_149 : i32
      %scan3A_151 = arith.constant 0 : i32
      %scan3A_152 = arith.constant 88 : i32
      %scan3A_153 = arith.addi %scan3A_151, %scan3A_152 : i32
      %scan3A_154 = arith.constant 1 : i32
      %scan3A_155 = scf.for %scan3A_197 = %scan3A_151 to %scan3A_153 step %scan3A_154 iter_args(%scan3A_198 = %broadcast_in_dim3A_1) -> (vector<16xi32>)  : i32 {
        %mul3A_199 = arith.constant 16 : i32
        %mul3A_200 = arith.muli %scan3A_197, %mul3A_199 : i32
        %get3A = arith.index_cast %mul3A_200 : i32 to index
        %get3A_201 = tpu.vector_load %arg23[%get3A] {strides = array<i32>} : memref<1408xi32, #tpu.memory_space<vmem>>, vector<16xi32>,
        %ge3A_202 = vector.broadcast %add3A_150 : i32 to vector<16xi32>
        %ge3A_203 = arith.cmpi sge, %get3A_201, %ge3A_202 : vector<16xi32>
        %jit3A_204 = arith.constant 1 : i32
        %jit3A_205 = arith.constant 0 : i32
        %broadcast_in_dim3A_206 = vector.broadcast %jit3A_204 : i32 to vector<16xi32>
        %broadcast_in_dim3A_207 = vector.broadcast %jit3A_205 : i32 to vector<16xi32>
        %select_n3A_208 = arith.select %ge3A_203, %broadcast_in_dim3A_206, %broadcast_in_dim3A_207 : vector<16xi1>, vector<16xi32>
        %add3A_209 = arith.addi %scan3A_198, %select_n3A_208 : vector<16xi32>
        scf.yield %add3A_209 : vector<16xi32>
      }
      %scan3A_156 = arith.constant 88 : i32
      %reduce_sum3A_157 = arith.constant true
      %reduce_sum3A_158 = vector.broadcast %reduce_sum3A_157 : i1 to vector<16xi1>
      %reduce_sum3A_159 = tpu.scan <sum>, %scan3A_155 masked %reduce_sum3A_158 : vector<16xi32>, vector<16xi1> -> vector<16xi32>
      %reduce_sum3A_160 = vector.extract %reduce_sum3A_159[15] : i32 from vector<16xi32>
      %add3A_161 = arith.constant 2 : i32
      %add3A_162 = arith.addi %scan3A_143, %add3A_161 : i32
      %eq3A_163 = arith.constant 0 : i32
      %eq3A_164 = vector.broadcast %eq3A_163 : i32 to vector<16xi32>
      %eq3A_165 = arith.cmpi eq, %iota3A, %eq3A_164 : vector<16xi32>
      %eq3A_166 = arith.constant 1 : i32
      %eq3A_167 = vector.broadcast %eq3A_166 : i32 to vector<16xi32>
      %eq3A_168 = arith.cmpi eq, %iota3A, %eq3A_167 : vector<16xi32>
      %jit3A_169 = arith.constant 0 : i32
      %broadcast_in_dim3A_170 = vector.broadcast %add3A_162 : i32 to vector<16xi32>
      %broadcast_in_dim3A_171 = vector.broadcast %jit3A_169 : i32 to vector<16xi32>
      %select_n3A_172 = arith.select %eq3A_168, %broadcast_in_dim3A_170, %broadcast_in_dim3A_171 : vector<16xi1>, vector<16xi32>
      %broadcast_in_dim3A_173 = vector.broadcast %reduce_sum3A_160 : i32 to vector<16xi32>
      %select_n3A_174 = arith.select %eq3A_165, %broadcast_in_dim3A_173, %select_n3A_172 : vector<16xi1>, vector<16xi32>
      %swap3A_175 = arith.constant 0 : index
      %swap3A_176 = tpu.vector_load %arg38[%swap3A_175] {strides = array<i32>} : memref<16xi32, #tpu.memory_space<vmem>>, vector<16xi32>,
      tpu.vector_store %arg38[%swap3A_175], %select_n3A_174 {strides = array<i32>} : memref<16xi32, #tpu.memory_space<vmem>>, vector<16xi32>,
      %mul3A_177 = arith.constant 128 : i32
      %mul3A_178 = arith.muli %arg1, %mul3A_177 : i32
      "tpu.region"() ({
        %run_scoped3A = tpu.sem_alloc : memref<!tpu.dma_semaphore, #tpu.memory_space<semaphore_mem>>
        %dma_start3A = tpu.memref_slice %arg42[%mul3A_178] : memref<2048xi32, #tpu.memory_space<vmem_shared>> -> memref<16xi32, #tpu.memory_space<vmem_shared>>
        %dma_start3A_197 = tpu.memref_slice %arg42[%mul3A_178] : memref<2048xi32, #tpu.memory_space<vmem_shared>> -> memref<16xi32, #tpu.memory_space<vmem_shared>>
        tpu.enqueue_dma source(%arg38 : memref<16xi32, #tpu.memory_space<vmem>>) target(%dma_start3A_197 : memref<16xi32, #tpu.memory_space<vmem_shared>>) target_semaphore(%run_scoped3A : memref<!tpu.dma_semaphore, #tpu.memory_space<semaphore_mem>>)
        %dma_wait3A = tpu.memref_slice %arg42[%mul3A_178] : memref<2048xi32, #tpu.memory_space<vmem_shared>> -> memref<16xi32, #tpu.memory_space<vmem_shared>>
        %dma_wait3A_198 = tpu.memref_slice %arg42[%mul3A_178] : memref<2048xi32, #tpu.memory_space<vmem_shared>> -> memref<16xi32, #tpu.memory_space<vmem_shared>>
        tpu.wait_dma2 semaphore(%run_scoped3A : memref<!tpu.dma_semaphore, #tpu.memory_space<semaphore_mem>>) src(%arg38 : memref<16xi32, #tpu.memory_space<vmem>>) dst(%dma_wait3A_198 : memref<16xi32, #tpu.memory_space<vmem_shared>>)
        tpu.yield
      }) : () -> ()
      %barrier3A_179 = arith.constant 0 : index
      tpu.barrier barrier_id(%barrier3A_179)
      %while3A_180 = arith.constant false
      %while3A_181 = scf.while (%while3A_197 = %while3A_180) : (i1) -> i1 {
        %not3A = arith.constant true
        %not3A_198 = arith.xori %while3A_197, %not3A : i1
        scf.condition(%not3A_198) %while3A_197 : i1
      } do {
      ^bb0(%while3A_197: i1):
        "tpu.region"() ({
          %run_scoped3A = tpu.sem_alloc : memref<!tpu.dma_semaphore, #tpu.memory_space<semaphore_mem>>
          tpu.enqueue_dma source(%arg42 : memref<2048xi32, #tpu.memory_space<vmem_shared>>) target(%arg40 : memref<2048xi32, #tpu.memory_space<vmem>>) target_semaphore(%run_scoped3A : memref<!tpu.dma_semaphore, #tpu.memory_space<semaphore_mem>>)
          tpu.wait_dma2 semaphore(%run_scoped3A : memref<!tpu.dma_semaphore, #tpu.memory_space<semaphore_mem>>) src(%arg42 : memref<2048xi32, #tpu.memory_space<vmem_shared>>) dst(%arg40 : memref<2048xi32, #tpu.memory_space<vmem>>)
          tpu.yield
        }) : () -> ()
        %mul3A_198 = arith.constant 128 : i32
        %mul3A_199 = vector.broadcast %mul3A_198 : i32 to vector<16xi32>
        %mul3A_200 = arith.muli %iota3A, %mul3A_199 : vector<16xi32>
        %add3A_201 = arith.constant 1 : i32
        %add3A_202 = vector.broadcast %add3A_201 : i32 to vector<16xi32>
        %add3A_203 = arith.addi %mul3A_200, %add3A_202 : vector<16xi32>
        %gather3A_204 = tpu.vector_load_idx %arg40[%add3A_203] : memref<2048xi32, #tpu.memory_space<vmem>>[vector<16xi32>], vector<16xi32>,
        %eq3A_205 = vector.broadcast %add3A_162 : i32 to vector<16xi32>
        %eq3A_206 = arith.cmpi eq, %gather3A_204, %eq3A_205 : vector<16xi32>
        %jit3A_207 = arith.constant 1 : i32
        %jit3A_208 = arith.constant 0 : i32
        %broadcast_in_dim3A_209 = vector.broadcast %jit3A_207 : i32 to vector<16xi32>
        %broadcast_in_dim3A_210 = vector.broadcast %jit3A_208 : i32 to vector<16xi32>
        %select_n3A_211 = arith.select %eq3A_206, %broadcast_in_dim3A_209, %broadcast_in_dim3A_210 : vector<16xi1>, vector<16xi32>
        %reduce_sum3A_212 = arith.constant true
        %reduce_sum3A_213 = vector.broadcast %reduce_sum3A_212 : i1 to vector<16xi1>
        %reduce_sum3A_214 = tpu.scan <sum>, %select_n3A_211 masked %reduce_sum3A_213 : vector<16xi32>, vector<16xi1> -> vector<16xi32>
        %reduce_sum3A_215 = vector.extract %reduce_sum3A_214[15] : i32 from vector<16xi32>
        %eq3A_216 = arith.constant 16 : i32
        %eq3A_217 = arith.cmpi eq, %reduce_sum3A_215, %eq3A_216 : i32
        scf.yield %eq3A_217 : i1
      }
      %barrier3A_182 = arith.constant 0 : index
      tpu.barrier barrier_id(%barrier3A_182)
      %mul3A_183 = arith.constant 128 : i32
      %mul3A_184 = vector.broadcast %mul3A_183 : i32 to vector<16xi32>
      %mul3A_185 = arith.muli %iota3A, %mul3A_184 : vector<16xi32>
      %gather3A_186 = tpu.vector_load_idx %arg40[%mul3A_185] : memref<2048xi32, #tpu.memory_space<vmem>>[vector<16xi32>], vector<16xi32>,
      %reduce_sum3A_187 = arith.constant true
      %reduce_sum3A_188 = vector.broadcast %reduce_sum3A_187 : i1 to vector<16xi1>
      %reduce_sum3A_189 = tpu.scan <sum>, %gather3A_186 masked %reduce_sum3A_188 : vector<16xi32>, vector<16xi1> -> vector<16xi32>
      %reduce_sum3A_190 = vector.extract %reduce_sum3A_189[15] : i32 from vector<16xi32>
      %ge3A_191 = arith.constant 6000 : i32
      %ge3A_192 = arith.cmpi sge, %reduce_sum3A_190, %ge3A_191 : i32
      %select_n3A_193 = arith.select %ge3A_192, %add3A_150, %scan3A_144 : i32
      %sub3A_194 = arith.constant 1 : i32
      %sub3A_195 = arith.subi %add3A_150, %sub3A_194 : i32
      %select_n3A_196 = arith.select %ge3A_192, %scan3A_145, %sub3A_195 : i32
      scf.yield %select_n3A_193, %select_n3A_196 : i32, i32
    }
    %scan3A_64 = arith.constant 30 : i32
    %ge3A = arith.constant 6000 : i32
    %ge3A_65 = arith.cmpi sge, %reduce_sum3A_56, %ge3A : i32
    %jit3A_66 = arith.constant -1315859241 : i32
    %select_n3A_67 = arith.select %ge3A_65, %scan3A_63#0, %jit3A_66 : i32
    %scan3A_68 = arith.constant 0 : i32
    %scan3A_69 = arith.constant 88 : i32
    %scan3A_70 = arith.addi %scan3A_68, %scan3A_69 : i32
    %scan3A_71 = arith.constant 1 : i32
    %scan3A_72 = scf.for %scan3A_143 = %scan3A_68 to %scan3A_70 step %scan3A_71 iter_args(%scan3A_144 = %broadcast_in_dim3A_1) -> (vector<16xi32>)  : i32 {
      %mul3A_145 = arith.constant 16 : i32
      %mul3A_146 = arith.muli %scan3A_143, %mul3A_145 : i32
      %get3A = arith.index_cast %mul3A_146 : i32 to index
      %get3A_147 = tpu.vector_load %arg23[%get3A] {strides = array<i32>} : memref<1408xi32, #tpu.memory_space<vmem>>, vector<16xi32>,
      %gt3A = vector.broadcast %select_n3A_67 : i32 to vector<16xi32>
      %gt3A_148 = arith.cmpi sgt, %get3A_147, %gt3A : vector<16xi32>
      %jit3A_149 = arith.constant 1 : i32
      %jit3A_150 = arith.constant 0 : i32
      %broadcast_in_dim3A_151 = vector.broadcast %jit3A_149 : i32 to vector<16xi32>
      %broadcast_in_dim3A_152 = vector.broadcast %jit3A_150 : i32 to vector<16xi32>
      %select_n3A_153 = arith.select %gt3A_148, %broadcast_in_dim3A_151, %broadcast_in_dim3A_152 : vector<16xi1>, vector<16xi32>
      %add3A_154 = arith.addi %scan3A_144, %select_n3A_153 : vector<16xi32>
      scf.yield %add3A_154 : vector<16xi32>
    }
    %scan3A_73 = arith.constant 88 : i32
    %reduce_sum3A_74 = arith.constant true
    %reduce_sum3A_75 = vector.broadcast %reduce_sum3A_74 : i1 to vector<16xi1>
    %reduce_sum3A_76 = tpu.scan <sum>, %scan3A_72 masked %reduce_sum3A_75 : vector<16xi32>, vector<16xi1> -> vector<16xi32>
    %reduce_sum3A_77 = vector.extract %reduce_sum3A_76[15] : i32 from vector<16xi32>
    %eq3A_78 = arith.constant 0 : i32
    %eq3A_79 = vector.broadcast %eq3A_78 : i32 to vector<16xi32>
    %eq3A_80 = arith.cmpi eq, %iota3A, %eq3A_79 : vector<16xi32>
    %eq3A_81 = arith.constant 1 : i32
    %eq3A_82 = vector.broadcast %eq3A_81 : i32 to vector<16xi32>
    %eq3A_83 = arith.cmpi eq, %iota3A, %eq3A_82 : vector<16xi32>
    %jit3A_84 = arith.constant 33 : i32
    %jit3A_85 = arith.constant 0 : i32
    %broadcast_in_dim3A_86 = vector.broadcast %jit3A_84 : i32 to vector<16xi32>
    %broadcast_in_dim3A_87 = vector.broadcast %jit3A_85 : i32 to vector<16xi32>
    %select_n3A_88 = arith.select %eq3A_83, %broadcast_in_dim3A_86, %broadcast_in_dim3A_87 : vector<16xi1>, vector<16xi32>
    %broadcast_in_dim3A_89 = vector.broadcast %reduce_sum3A_77 : i32 to vector<16xi32>
    %select_n3A_90 = arith.select %eq3A_80, %broadcast_in_dim3A_89, %select_n3A_88 : vector<16xi1>, vector<16xi32>
    %swap3A_91 = arith.constant 0 : index
    %swap3A_92 = tpu.vector_load %arg38[%swap3A_91] {strides = array<i32>} : memref<16xi32, #tpu.memory_space<vmem>>, vector<16xi32>,
    tpu.vector_store %arg38[%swap3A_91], %select_n3A_90 {strides = array<i32>} : memref<16xi32, #tpu.memory_space<vmem>>, vector<16xi32>,
    %mul3A_93 = arith.constant 128 : i32
    %mul3A_94 = arith.muli %arg1, %mul3A_93 : i32
    "tpu.region"() ({
      %run_scoped3A = tpu.sem_alloc : memref<!tpu.dma_semaphore, #tpu.memory_space<semaphore_mem>>
      %dma_start3A = tpu.memref_slice %arg42[%mul3A_94] : memref<2048xi32, #tpu.memory_space<vmem_shared>> -> memref<16xi32, #tpu.memory_space<vmem_shared>>
      %dma_start3A_143 = tpu.memref_slice %arg42[%mul3A_94] : memref<2048xi32, #tpu.memory_space<vmem_shared>> -> memref<16xi32, #tpu.memory_space<vmem_shared>>
      tpu.enqueue_dma source(%arg38 : memref<16xi32, #tpu.memory_space<vmem>>) target(%dma_start3A_143 : memref<16xi32, #tpu.memory_space<vmem_shared>>) target_semaphore(%run_scoped3A : memref<!tpu.dma_semaphore, #tpu.memory_space<semaphore_mem>>)
      %dma_wait3A = tpu.memref_slice %arg42[%mul3A_94] : memref<2048xi32, #tpu.memory_space<vmem_shared>> -> memref<16xi32, #tpu.memory_space<vmem_shared>>
      %dma_wait3A_144 = tpu.memref_slice %arg42[%mul3A_94] : memref<2048xi32, #tpu.memory_space<vmem_shared>> -> memref<16xi32, #tpu.memory_space<vmem_shared>>
      tpu.wait_dma2 semaphore(%run_scoped3A : memref<!tpu.dma_semaphore, #tpu.memory_space<semaphore_mem>>) src(%arg38 : memref<16xi32, #tpu.memory_space<vmem>>) dst(%dma_wait3A_144 : memref<16xi32, #tpu.memory_space<vmem_shared>>)
      tpu.yield
    }) : () -> ()
    %barrier3A_95 = arith.constant 0 : index
    tpu.barrier barrier_id(%barrier3A_95)
    %while3A_96 = arith.constant 33 : i32
    %while3A_97 = arith.constant false
    %while3A_98 = scf.while (%while3A_143 = %while3A_97) : (i1) -> i1 {
      %not3A = arith.constant true
      %not3A_144 = arith.xori %while3A_143, %not3A : i1
      scf.condition(%not3A_144) %while3A_143 : i1
    } do {
    ^bb0(%while3A_143: i1):
      "tpu.region"() ({
        %run_scoped3A = tpu.sem_alloc : memref<!tpu.dma_semaphore, #tpu.memory_space<semaphore_mem>>
        tpu.enqueue_dma source(%arg42 : memref<2048xi32, #tpu.memory_space<vmem_shared>>) target(%arg40 : memref<2048xi32, #tpu.memory_space<vmem>>) target_semaphore(%run_scoped3A : memref<!tpu.dma_semaphore, #tpu.memory_space<semaphore_mem>>)
        tpu.wait_dma2 semaphore(%run_scoped3A : memref<!tpu.dma_semaphore, #tpu.memory_space<semaphore_mem>>) src(%arg42 : memref<2048xi32, #tpu.memory_space<vmem_shared>>) dst(%arg40 : memref<2048xi32, #tpu.memory_space<vmem>>)
        tpu.yield
      }) : () -> ()
      %mul3A_144 = arith.constant 128 : i32
      %mul3A_145 = vector.broadcast %mul3A_144 : i32 to vector<16xi32>
      %mul3A_146 = arith.muli %iota3A, %mul3A_145 : vector<16xi32>
      %add3A_147 = arith.constant 1 : i32
      %add3A_148 = vector.broadcast %add3A_147 : i32 to vector<16xi32>
      %add3A_149 = arith.addi %mul3A_146, %add3A_148 : vector<16xi32>
      %gather3A_150 = tpu.vector_load_idx %arg40[%add3A_149] : memref<2048xi32, #tpu.memory_space<vmem>>[vector<16xi32>], vector<16xi32>,
      %eq3A_151 = vector.broadcast %while3A_96 : i32 to vector<16xi32>
      %eq3A_152 = arith.cmpi eq, %gather3A_150, %eq3A_151 : vector<16xi32>
      %jit3A_153 = arith.constant 1 : i32
      %jit3A_154 = arith.constant 0 : i32
      %broadcast_in_dim3A_155 = vector.broadcast %jit3A_153 : i32 to vector<16xi32>
      %broadcast_in_dim3A_156 = vector.broadcast %jit3A_154 : i32 to vector<16xi32>
      %select_n3A_157 = arith.select %eq3A_152, %broadcast_in_dim3A_155, %broadcast_in_dim3A_156 : vector<16xi1>, vector<16xi32>
      %reduce_sum3A_158 = arith.constant true
      %reduce_sum3A_159 = vector.broadcast %reduce_sum3A_158 : i1 to vector<16xi1>
      %reduce_sum3A_160 = tpu.scan <sum>, %select_n3A_157 masked %reduce_sum3A_159 : vector<16xi32>, vector<16xi1> -> vector<16xi32>
      %reduce_sum3A_161 = vector.extract %reduce_sum3A_160[15] : i32 from vector<16xi32>
      %eq3A_162 = arith.constant 16 : i32
      %eq3A_163 = arith.cmpi eq, %reduce_sum3A_161, %eq3A_162 : i32
      scf.yield %eq3A_163 : i1
    }
    %barrier3A_99 = arith.constant 0 : index
    tpu.barrier barrier_id(%barrier3A_99)
    %mul3A_100 = arith.constant 128 : i32
    %mul3A_101 = vector.broadcast %mul3A_100 : i32 to vector<16xi32>
    %mul3A_102 = arith.muli %iota3A, %mul3A_101 : vector<16xi32>
    %gather3A_103 = tpu.vector_load_idx %arg40[%mul3A_102] : memref<2048xi32, #tpu.memory_space<vmem>>[vector<16xi32>], vector<16xi32>,
    %reduce_sum3A_104 = arith.constant true
    %reduce_sum3A_105 = vector.broadcast %reduce_sum3A_104 : i1 to vector<16xi1>
    %reduce_sum3A_106 = tpu.scan <sum>, %gather3A_103 masked %reduce_sum3A_105 : vector<16xi32>, vector<16xi1> -> vector<16xi32>
    %reduce_sum3A_107 = vector.extract %reduce_sum3A_106[15] : i32 from vector<16xi32>
    %scan3A_108 = arith.constant 0 : i32
    %scan3A_109 = arith.constant 22527 : i32
    %scan3A_110 = arith.constant 0 : i32
    %scan3A_111 = arith.constant 15 : i32
    %scan3A_112 = arith.addi %scan3A_110, %scan3A_111 : i32
    %scan3A_113 = arith.constant 1 : i32
    %scan3A_114:2 = scf.for %scan3A_143 = %scan3A_110 to %scan3A_112 step %scan3A_113 iter_args(%scan3A_144 = %scan3A_108, %scan3A_145 = %scan3A_109) -> (i32, i32)  : i32 {
      %add3A_146 = arith.addi %scan3A_144, %scan3A_145 : i32
      %shift_right_arithmetic3A_147 = arith.constant 1 : i32
      %shift_right_arithmetic3A_148 = arith.shrsi %add3A_146, %shift_right_arithmetic3A_147 : i32
      %scan3A_149 = arith.constant 0 : i32
      %scan3A_150 = arith.constant 88 : i32
      %scan3A_151 = arith.addi %scan3A_149, %scan3A_150 : i32
      %scan3A_152 = arith.constant 1 : i32
      %scan3A_153 = scf.for %scan3A_196 = %scan3A_149 to %scan3A_151 step %scan3A_152 iter_args(%scan3A_197 = %broadcast_in_dim3A_1) -> (vector<16xi32>)  : i32 {
        %mul3A_198 = arith.constant 16 : i32
        %mul3A_199 = arith.muli %scan3A_196, %mul3A_198 : i32
        %get3A = arith.index_cast %mul3A_199 : i32 to index
        %get3A_200 = tpu.vector_load %arg23[%get3A] {strides = array<i32>} : memref<1408xi32, #tpu.memory_space<vmem>>, vector<16xi32>,
        %mul3A_201 = arith.constant 16 : i32
        %mul3A_202 = arith.muli %scan3A_196, %mul3A_201 : i32
        %add3A_203 = arith.addi %mul3A_0, %mul3A_202 : i32
        %add3A_204 = vector.broadcast %add3A_203 : i32 to vector<16xi32>
        %add3A_205 = arith.addi %add3A_204, %iota3A : vector<16xi32>
        %eq3A_206 = vector.broadcast %select_n3A_67 : i32 to vector<16xi32>
        %eq3A_207 = arith.cmpi eq, %get3A_200, %eq3A_206 : vector<16xi32>
        %le3A = vector.broadcast %shift_right_arithmetic3A_148 : i32 to vector<16xi32>
        %le3A_208 = arith.cmpi sle, %add3A_205, %le3A : vector<16xi32>
        %and3A = arith.andi %eq3A_207, %le3A_208 : vector<16xi1>
        %jit3A_209 = arith.constant 1 : i32
        %jit3A_210 = arith.constant 0 : i32
        %broadcast_in_dim3A_211 = vector.broadcast %jit3A_209 : i32 to vector<16xi32>
        %broadcast_in_dim3A_212 = vector.broadcast %jit3A_210 : i32 to vector<16xi32>
        %select_n3A_213 = arith.select %and3A, %broadcast_in_dim3A_211, %broadcast_in_dim3A_212 : vector<16xi1>, vector<16xi32>
        %add3A_214 = arith.addi %scan3A_197, %select_n3A_213 : vector<16xi32>
        scf.yield %add3A_214 : vector<16xi32>
      }
      %scan3A_154 = arith.constant 88 : i32
      %reduce_sum3A_155 = arith.constant true
      %reduce_sum3A_156 = vector.broadcast %reduce_sum3A_155 : i1 to vector<16xi1>
      %reduce_sum3A_157 = tpu.scan <sum>, %scan3A_153 masked %reduce_sum3A_156 : vector<16xi32>, vector<16xi1> -> vector<16xi32>
      %reduce_sum3A_158 = vector.extract %reduce_sum3A_157[15] : i32 from vector<16xi32>
      %add3A_159 = arith.constant 34 : i32
      %add3A_160 = arith.addi %scan3A_143, %add3A_159 : i32
      %eq3A_161 = arith.constant 0 : i32
      %eq3A_162 = vector.broadcast %eq3A_161 : i32 to vector<16xi32>
      %eq3A_163 = arith.cmpi eq, %iota3A, %eq3A_162 : vector<16xi32>
      %eq3A_164 = arith.constant 1 : i32
      %eq3A_165 = vector.broadcast %eq3A_164 : i32 to vector<16xi32>
      %eq3A_166 = arith.cmpi eq, %iota3A, %eq3A_165 : vector<16xi32>
      %jit3A_167 = arith.constant 0 : i32
      %broadcast_in_dim3A_168 = vector.broadcast %add3A_160 : i32 to vector<16xi32>
      %broadcast_in_dim3A_169 = vector.broadcast %jit3A_167 : i32 to vector<16xi32>
      %select_n3A_170 = arith.select %eq3A_166, %broadcast_in_dim3A_168, %broadcast_in_dim3A_169 : vector<16xi1>, vector<16xi32>
      %broadcast_in_dim3A_171 = vector.broadcast %reduce_sum3A_158 : i32 to vector<16xi32>
      %select_n3A_172 = arith.select %eq3A_163, %broadcast_in_dim3A_171, %select_n3A_170 : vector<16xi1>, vector<16xi32>
      %swap3A_173 = arith.constant 0 : index
      %swap3A_174 = tpu.vector_load %arg38[%swap3A_173] {strides = array<i32>} : memref<16xi32, #tpu.memory_space<vmem>>, vector<16xi32>,
      tpu.vector_store %arg38[%swap3A_173], %select_n3A_172 {strides = array<i32>} : memref<16xi32, #tpu.memory_space<vmem>>, vector<16xi32>,
      %mul3A_175 = arith.constant 128 : i32
      %mul3A_176 = arith.muli %arg1, %mul3A_175 : i32
      "tpu.region"() ({
        %run_scoped3A = tpu.sem_alloc : memref<!tpu.dma_semaphore, #tpu.memory_space<semaphore_mem>>
        %dma_start3A = tpu.memref_slice %arg42[%mul3A_176] : memref<2048xi32, #tpu.memory_space<vmem_shared>> -> memref<16xi32, #tpu.memory_space<vmem_shared>>
        %dma_start3A_196 = tpu.memref_slice %arg42[%mul3A_176] : memref<2048xi32, #tpu.memory_space<vmem_shared>> -> memref<16xi32, #tpu.memory_space<vmem_shared>>
        tpu.enqueue_dma source(%arg38 : memref<16xi32, #tpu.memory_space<vmem>>) target(%dma_start3A_196 : memref<16xi32, #tpu.memory_space<vmem_shared>>) target_semaphore(%run_scoped3A : memref<!tpu.dma_semaphore, #tpu.memory_space<semaphore_mem>>)
        %dma_wait3A = tpu.memref_slice %arg42[%mul3A_176] : memref<2048xi32, #tpu.memory_space<vmem_shared>> -> memref<16xi32, #tpu.memory_space<vmem_shared>>
        %dma_wait3A_197 = tpu.memref_slice %arg42[%mul3A_176] : memref<2048xi32, #tpu.memory_space<vmem_shared>> -> memref<16xi32, #tpu.memory_space<vmem_shared>>
        tpu.wait_dma2 semaphore(%run_scoped3A : memref<!tpu.dma_semaphore, #tpu.memory_space<semaphore_mem>>) src(%arg38 : memref<16xi32, #tpu.memory_space<vmem>>) dst(%dma_wait3A_197 : memref<16xi32, #tpu.memory_space<vmem_shared>>)
        tpu.yield
      }) : () -> ()
      %barrier3A_177 = arith.constant 0 : index
      tpu.barrier barrier_id(%barrier3A_177)
      %while3A_178 = arith.constant false
      %while3A_179 = scf.while (%while3A_196 = %while3A_178) : (i1) -> i1 {
        %not3A = arith.constant true
        %not3A_197 = arith.xori %while3A_196, %not3A : i1
        scf.condition(%not3A_197) %while3A_196 : i1
      } do {
      ^bb0(%while3A_196: i1):
        "tpu.region"() ({
          %run_scoped3A = tpu.sem_alloc : memref<!tpu.dma_semaphore, #tpu.memory_space<semaphore_mem>>
          tpu.enqueue_dma source(%arg42 : memref<2048xi32, #tpu.memory_space<vmem_shared>>) target(%arg40 : memref<2048xi32, #tpu.memory_space<vmem>>) target_semaphore(%run_scoped3A : memref<!tpu.dma_semaphore, #tpu.memory_space<semaphore_mem>>)
          tpu.wait_dma2 semaphore(%run_scoped3A : memref<!tpu.dma_semaphore, #tpu.memory_space<semaphore_mem>>) src(%arg42 : memref<2048xi32, #tpu.memory_space<vmem_shared>>) dst(%arg40 : memref<2048xi32, #tpu.memory_space<vmem>>)
          tpu.yield
        }) : () -> ()
        %mul3A_197 = arith.constant 128 : i32
        %mul3A_198 = vector.broadcast %mul3A_197 : i32 to vector<16xi32>
        %mul3A_199 = arith.muli %iota3A, %mul3A_198 : vector<16xi32>
        %add3A_200 = arith.constant 1 : i32
        %add3A_201 = vector.broadcast %add3A_200 : i32 to vector<16xi32>
        %add3A_202 = arith.addi %mul3A_199, %add3A_201 : vector<16xi32>
        %gather3A_203 = tpu.vector_load_idx %arg40[%add3A_202] : memref<2048xi32, #tpu.memory_space<vmem>>[vector<16xi32>], vector<16xi32>,
        %eq3A_204 = vector.broadcast %add3A_160 : i32 to vector<16xi32>
        %eq3A_205 = arith.cmpi eq, %gather3A_203, %eq3A_204 : vector<16xi32>
        %jit3A_206 = arith.constant 1 : i32
        %jit3A_207 = arith.constant 0 : i32
        %broadcast_in_dim3A_208 = vector.broadcast %jit3A_206 : i32 to vector<16xi32>
        %broadcast_in_dim3A_209 = vector.broadcast %jit3A_207 : i32 to vector<16xi32>
        %select_n3A_210 = arith.select %eq3A_205, %broadcast_in_dim3A_208, %broadcast_in_dim3A_209 : vector<16xi1>, vector<16xi32>
        %reduce_sum3A_211 = arith.constant true
        %reduce_sum3A_212 = vector.broadcast %reduce_sum3A_211 : i1 to vector<16xi1>
        %reduce_sum3A_213 = tpu.scan <sum>, %select_n3A_210 masked %reduce_sum3A_212 : vector<16xi32>, vector<16xi1> -> vector<16xi32>
        %reduce_sum3A_214 = vector.extract %reduce_sum3A_213[15] : i32 from vector<16xi32>
        %eq3A_215 = arith.constant 16 : i32
        %eq3A_216 = arith.cmpi eq, %reduce_sum3A_214, %eq3A_215 : i32
        scf.yield %eq3A_216 : i1
      }
      %barrier3A_180 = arith.constant 0 : index
      tpu.barrier barrier_id(%barrier3A_180)
      %mul3A_181 = arith.constant 128 : i32
      %mul3A_182 = vector.broadcast %mul3A_181 : i32 to vector<16xi32>
      %mul3A_183 = arith.muli %iota3A, %mul3A_182 : vector<16xi32>
      %gather3A_184 = tpu.vector_load_idx %arg40[%mul3A_183] : memref<2048xi32, #tpu.memory_space<vmem>>[vector<16xi32>], vector<16xi32>,
      %reduce_sum3A_185 = arith.constant true
      %reduce_sum3A_186 = vector.broadcast %reduce_sum3A_185 : i1 to vector<16xi1>
      %reduce_sum3A_187 = tpu.scan <sum>, %gather3A_184 masked %reduce_sum3A_186 : vector<16xi32>, vector<16xi1> -> vector<16xi32>
      %reduce_sum3A_188 = vector.extract %reduce_sum3A_187[15] : i32 from vector<16xi32>
      %add3A_189 = arith.addi %reduce_sum3A_107, %reduce_sum3A_188 : i32
      %ge3A_190 = arith.constant 6000 : i32
      %ge3A_191 = arith.cmpi sge, %add3A_189, %ge3A_190 : i32
      %add3A_192 = arith.constant 1 : i32
      %add3A_193 = arith.addi %shift_right_arithmetic3A_148, %add3A_192 : i32
      %select_n3A_194 = arith.select %ge3A_191, %scan3A_144, %add3A_193 : i32
      %select_n3A_195 = arith.select %ge3A_191, %shift_right_arithmetic3A_148, %scan3A_145 : i32
      scf.yield %select_n3A_194, %select_n3A_195 : i32, i32
    }
    %scan3A_115 = arith.constant 15 : i32
    %eq3A_116 = arith.constant 0 : i32
    %eq3A_117 = arith.cmpi eq, %arg1, %eq3A_116 : i32
    %convert_element_type3A = arith.extui %eq3A_117 : i1 to i32
    %cond3A = arith.constant 0 : i32
    %cond3A_118 = arith.cmpi ne, %convert_element_type3A, %cond3A : i32
    scf.if %cond3A_118 {
      %eq3A_143 = arith.constant 0 : i32
      %eq3A_144 = vector.broadcast %eq3A_143 : i32 to vector<16xi32>
      %eq3A_145 = arith.cmpi eq, %iota3A, %eq3A_144 : vector<16xi32>
      %convert_element_type3A_146 = arith.sitofp %reduce_sum3A_56 : i32 to f32
      %jit3A_147 = arith.constant 0.000000e+00 : f32
      %broadcast_in_dim3A_148 = vector.broadcast %convert_element_type3A_146 : f32 to vector<16xf32>
      %broadcast_in_dim3A_149 = vector.broadcast %jit3A_147 : f32 to vector<16xf32>
      %select_n3A_150 = arith.select %eq3A_145, %broadcast_in_dim3A_148, %broadcast_in_dim3A_149 : vector<16xi1>, vector<16xf32>
      %eq3A_151 = arith.constant 1 : i32
      %eq3A_152 = vector.broadcast %eq3A_151 : i32 to vector<16xi32>
      %eq3A_153 = arith.cmpi eq, %iota3A, %eq3A_152 : vector<16xi32>
      %shift_right_arithmetic3A_154 = arith.constant 12 : i32
      %shift_right_arithmetic3A_155 = arith.shrsi %select_n3A_67, %shift_right_arithmetic3A_154 : i32
      %convert_element_type3A_156 = arith.sitofp %shift_right_arithmetic3A_155 : i32 to f32
      %broadcast_in_dim3A_157 = vector.broadcast %convert_element_type3A_156 : f32 to vector<16xf32>
      %select_n3A_158 = arith.select %eq3A_153, %broadcast_in_dim3A_157, %select_n3A_150 : vector<16xi1>, vector<16xf32>
      %eq3A_159 = arith.constant 2 : i32
      %eq3A_160 = vector.broadcast %eq3A_159 : i32 to vector<16xi32>
      %eq3A_161 = arith.cmpi eq, %iota3A, %eq3A_160 : vector<16xi32>
      %and3A = arith.constant 4095 : i32
      %and3A_162 = arith.andi %select_n3A_67, %and3A : i32
      %convert_element_type3A_163 = arith.sitofp %and3A_162 : i32 to f32
      %broadcast_in_dim3A_164 = vector.broadcast %convert_element_type3A_163 : f32 to vector<16xf32>
      %select_n3A_165 = arith.select %eq3A_161, %broadcast_in_dim3A_164, %select_n3A_158 : vector<16xi1>, vector<16xf32>
      %eq3A_166 = arith.constant 3 : i32
      %eq3A_167 = vector.broadcast %eq3A_166 : i32 to vector<16xi32>
      %eq3A_168 = arith.cmpi eq, %iota3A, %eq3A_167 : vector<16xi32>
      %convert_element_type3A_169 = arith.sitofp %reduce_sum3A_107 : i32 to f32
      %broadcast_in_dim3A_170 = vector.broadcast %convert_element_type3A_169 : f32 to vector<16xf32>
      %select_n3A_171 = arith.select %eq3A_168, %broadcast_in_dim3A_170, %select_n3A_165 : vector<16xi1>, vector<16xf32>
      %eq3A_172 = arith.constant 4 : i32
      %eq3A_173 = vector.broadcast %eq3A_172 : i32 to vector<16xi32>
      %eq3A_174 = arith.cmpi eq, %iota3A, %eq3A_173 : vector<16xi32>
      %convert_element_type3A_175 = arith.sitofp %scan3A_114#0 : i32 to f32
      %broadcast_in_dim3A_176 = vector.broadcast %convert_element_type3A_175 : f32 to vector<16xf32>
      %select_n3A_177 = arith.select %eq3A_174, %broadcast_in_dim3A_176, %select_n3A_171 : vector<16xi1>, vector<16xf32>
      %swap3A_178 = arith.constant 4800 : index
      %swap3A_179 = tpu.vector_load %arg41[%swap3A_178] {strides = array<i32>} : memref<4864xf32, #tpu.memory_space<vmem>>, vector<16xf32>,
      tpu.vector_store %arg41[%swap3A_178], %select_n3A_177 {strides = array<i32>} : memref<4864xf32, #tpu.memory_space<vmem>>, vector<16xf32>,
    } else {
    }
    %scan3A_119 = arith.constant 0 : i32
    %scan3A_120 = arith.constant 0 : i32
    %scan3A_121 = arith.constant 88 : i32
    %scan3A_122 = arith.addi %scan3A_120, %scan3A_121 : i32
    %scan3A_123 = arith.constant 1 : i32
    %scan3A_124 = scf.for %scan3A_143 = %scan3A_120 to %scan3A_122 step %scan3A_123 iter_args(%scan3A_144 = %scan3A_119) -> (i32)  : i32 {
      %mul3A_145 = arith.constant 16 : i32
      %mul3A_146 = arith.muli %scan3A_143, %mul3A_145 : i32
      %get3A = arith.index_cast %mul3A_146 : i32 to index
      %get3A_147 = tpu.vector_load %arg23[%get3A] {strides = array<i32>} : memref<1408xi32, #tpu.memory_space<vmem>>, vector<16xi32>,
      %mul3A_148 = arith.constant 16 : i32
      %mul3A_149 = arith.muli %scan3A_143, %mul3A_148 : i32
      %add3A_150 = arith.addi %mul3A_0, %mul3A_149 : i32
      %add3A_151 = vector.broadcast %add3A_150 : i32 to vector<16xi32>
      %add3A_152 = arith.addi %add3A_151, %iota3A : vector<16xi32>
      %gt3A = vector.broadcast %select_n3A_67 : i32 to vector<16xi32>
      %gt3A_153 = arith.cmpi sgt, %get3A_147, %gt3A : vector<16xi32>
      %eq3A_154 = vector.broadcast %select_n3A_67 : i32 to vector<16xi32>
      %eq3A_155 = arith.cmpi eq, %get3A_147, %eq3A_154 : vector<16xi32>
      %le3A = vector.broadcast %scan3A_114#0 : i32 to vector<16xi32>
      %le3A_156 = arith.cmpi sle, %add3A_152, %le3A : vector<16xi32>
      %and3A = arith.andi %eq3A_155, %le3A_156 : vector<16xi1>
      %or3A = arith.ori %gt3A_153, %and3A : vector<16xi1>
      %get3A_157 = arith.index_cast %mul3A_146 : i32 to index
      %get3A_158 = tpu.vector_load %arg24[%get3A_157] {strides = array<i32>} : memref<1408xf32, #tpu.memory_space<vmem>>, vector<16xf32>,
      %swap3A_159 = arith.index_cast %scan3A_144 : i32 to index
      %swap3A_160 = tpu.vector_load %arg30[%swap3A_159] masked %or3A {strides = array<i32>} : memref<1424xf32, #tpu.memory_space<vmem>>, vector<16xf32>, vector<16xi1>
      tpu.vector_store %arg30[%swap3A_159], %get3A_158 masked %or3A {strides = array<i32>} : memref<1424xf32, #tpu.memory_space<vmem>>, vector<16xf32>, vector<16xi1>
      %get3A_161 = arith.index_cast %mul3A_146 : i32 to index
      %get3A_162 = tpu.vector_load %arg25[%get3A_161] {strides = array<i32>} : memref<1408xf32, #tpu.memory_space<vmem>>, vector<16xf32>,
      %swap3A_163 = arith.index_cast %scan3A_144 : i32 to index
      %swap3A_164 = tpu.vector_load %arg31[%swap3A_163] masked %or3A {strides = array<i32>} : memref<1424xf32, #tpu.memory_space<vmem>>, vector<16xf32>, vector<16xi1>
      tpu.vector_store %arg31[%swap3A_163], %get3A_162 masked %or3A {strides = array<i32>} : memref<1424xf32, #tpu.memory_space<vmem>>, vector<16xf32>, vector<16xi1>
      %get3A_165 = arith.index_cast %mul3A_146 : i32 to index
      %get3A_166 = tpu.vector_load %arg26[%get3A_165] {strides = array<i32>} : memref<1408xf32, #tpu.memory_space<vmem>>, vector<16xf32>,
      %swap3A_167 = arith.index_cast %scan3A_144 : i32 to index
      %swap3A_168 = tpu.vector_load %arg32[%swap3A_167] masked %or3A {strides = array<i32>} : memref<1424xf32, #tpu.memory_space<vmem>>, vector<16xf32>, vector<16xi1>
      tpu.vector_store %arg32[%swap3A_167], %get3A_166 masked %or3A {strides = array<i32>} : memref<1424xf32, #tpu.memory_space<vmem>>, vector<16xf32>, vector<16xi1>
      %get3A_169 = arith.index_cast %mul3A_146 : i32 to index
      %get3A_170 = tpu.vector_load %arg27[%get3A_169] {strides = array<i32>} : memref<1408xf32, #tpu.memory_space<vmem>>, vector<16xf32>,
      %swap3A_171 = arith.index_cast %scan3A_144 : i32 to index
      %swap3A_172 = tpu.vector_load %arg33[%swap3A_171] masked %or3A {strides = array<i32>} : memref<1424xf32, #tpu.memory_space<vmem>>, vector<16xf32>, vector<16xi1>
      tpu.vector_store %arg33[%swap3A_171], %get3A_170 masked %or3A {strides = array<i32>} : memref<1424xf32, #tpu.memory_space<vmem>>, vector<16xf32>, vector<16xi1>
      %get3A_173 = arith.index_cast %mul3A_146 : i32 to index
      %get3A_174 = tpu.vector_load %arg28[%get3A_173] {strides = array<i32>} : memref<1408xf32, #tpu.memory_space<vmem>>, vector<16xf32>,
      %swap3A_175 = arith.index_cast %scan3A_144 : i32 to index
      %swap3A_176 = tpu.vector_load %arg34[%swap3A_175] masked %or3A {strides = array<i32>} : memref<1424xf32, #tpu.memory_space<vmem>>, vector<16xf32>, vector<16xi1>
      tpu.vector_store %arg34[%swap3A_175], %get3A_174 masked %or3A {strides = array<i32>} : memref<1424xf32, #tpu.memory_space<vmem>>, vector<16xf32>, vector<16xi1>
      %get3A_177 = arith.index_cast %mul3A_146 : i32 to index
      %get3A_178 = tpu.vector_load %arg29[%get3A_177] {strides = array<i32>} : memref<1408xf32, #tpu.memory_space<vmem>>, vector<16xf32>,
      %swap3A_179 = arith.index_cast %scan3A_144 : i32 to index
      %swap3A_180 = tpu.vector_load %arg35[%swap3A_179] masked %or3A {strides = array<i32>} : memref<1424xf32, #tpu.memory_space<vmem>>, vector<16xf32>, vector<16xi1>
      tpu.vector_store %arg35[%swap3A_179], %get3A_178 masked %or3A {strides = array<i32>} : memref<1424xf32, #tpu.memory_space<vmem>>, vector<16xf32>, vector<16xi1>
      %swap3A_181 = arith.index_cast %scan3A_144 : i32 to index
      %swap3A_182 = tpu.vector_load %arg36[%swap3A_181] masked %or3A {strides = array<i32>} : memref<1424xi32, #tpu.memory_space<vmem>>, vector<16xi32>, vector<16xi1>
      tpu.vector_store %arg36[%swap3A_181], %add3A_152 masked %or3A {strides = array<i32>} : memref<1424xi32, #tpu.memory_space<vmem>>, vector<16xi32>, vector<16xi1>
      %all_reduce_population_count3A = tpu.all_reduce %or3A {dim = 0 : i64, kind = #tpu.reduction_kind<sum>} : vector<16xi1> -> vector<16xi32>
      %reduce_max3A = arith.constant true
      %reduce_max3A_183 = vector.broadcast %reduce_max3A : i1 to vector<16xi1>
      %reduce_max3A_184 = arith.constant -2147483648 : i32
      %reduce_max3A_185 = vector.broadcast %reduce_max3A_184 : i32 to vector<16xi32>
      %reduce_max3A_186 = arith.xori %all_reduce_population_count3A, %reduce_max3A_185 : vector<16xi32>
      %reduce_max3A_187 = tpu.scan <max>, %reduce_max3A_186 masked %reduce_max3A_183 : vector<16xi32>, vector<16xi1> -> vector<16xi32>
      %reduce_max3A_188 = arith.xori %reduce_max3A_187, %reduce_max3A_185 : vector<16xi32>
      %reduce_max3A_189 = vector.extract %reduce_max3A_188[15] : i32 from vector<16xi32>
      %add3A_190 = arith.addi %scan3A_144, %reduce_max3A_189 : i32
      scf.yield %add3A_190 : i32
    }
    %scan3A_125 = arith.constant 88 : i32
    %broadcast_in_dim3A_126 = arith.constant -3.000000e+38 : f32
    %broadcast_in_dim3A_127 = vector.broadcast %broadcast_in_dim3A_126 : f32 to vector<16xf32>
    %swap3A_128 = arith.index_cast %scan3A_124 : i32 to index
    %swap3A_129 = tpu.vector_load %arg30[%swap3A_128] {strides = array<i32>} : memref<1424xf32, #tpu.memory_space<vmem>>, vector<16xf32>,
    tpu.vector_store %arg30[%swap3A_128], %broadcast_in_dim3A_127 {strides = array<i32>} : memref<1424xf32, #tpu.memory_space<vmem>>, vector<16xf32>,
    %add3A = arith.constant 15 : i32
    %add3A_130 = arith.addi %scan3A_124, %add3A : i32
    %shift_right_arithmetic3A = arith.constant 4 : i32
    %shift_right_arithmetic3A_131 = arith.shrsi %add3A_130, %shift_right_arithmetic3A : i32
    %scan3A_132 = arith.constant 0 : i32
    %scan3A_133 = arith.constant 0 : i32
    %scan3A_134 = arith.constant 300 : i32
    %scan3A_135 = arith.addi %scan3A_133, %scan3A_134 : i32
    %scan3A_136 = arith.constant 1 : i32
    scf.for %scan3A_143 = %scan3A_133 to %scan3A_135 step %scan3A_136  : i32 {
      %add3A_144 = arith.constant 1 : i32
      %add3A_145 = arith.addi %scan3A_143, %add3A_144 : i32
      %convert_element_type3A_146 = arith.sitofp %add3A_145 : i32 to f32
      %broadcast_in_dim3A_147 = arith.constant -3.000000e+38 : f32
      %broadcast_in_dim3A_148 = vector.broadcast %broadcast_in_dim3A_147 : f32 to vector<16xf32>
      %while3A_149 = arith.constant 0 : i32
      %while3A_150 = arith.subi %shift_right_arithmetic3A_131, %while3A_149 : i32
      %while3A_151 = arith.addi %while3A_149, %while3A_150 : i32
      %while3A_152 = arith.constant 1 : i32
      %while3A_153 = arith.divsi %while3A_150, %while3A_152 : i32
      %while3A_154 = arith.muli %while3A_153, %while3A_152 : i32
      %while3A_155 = arith.addi %while3A_149, %while3A_154 : i32
      %while3A_156 = arith.constant 1 : i32
      %while3A_157:2 = scf.for %while3A_326 = %while3A_149 to %while3A_155 step %while3A_156 iter_args(%while3A_327 = %broadcast_in_dim3A_148, %while3A_328 = %broadcast_in_dim3A_1) -> (vector<16xf32>, vector<16xi32>)  : i32 {
        %mul3A_329 = arith.constant 16 : i32
        %mul3A_330 = arith.muli %while3A_326, %mul3A_329 : i32
        %get3A = arith.index_cast %mul3A_330 : i32 to index
        %get3A_331 = tpu.vector_load %arg30[%get3A] {strides = array<i32>} : memref<1424xf32, #tpu.memory_space<vmem>>, vector<16xf32>,
        %gt3A_332 = arith.cmpf ogt, %get3A_331, %while3A_327 : vector<16xf32>
        %select_n3A_333 = arith.select %gt3A_332, %get3A_331, %while3A_327 : vector<16xi1>, vector<16xf32>
        %broadcast_in_dim3A_334 = vector.broadcast %while3A_326 : i32 to vector<16xi32>
        %select_n3A_335 = arith.select %gt3A_332, %broadcast_in_dim3A_334, %while3A_328 : vector<16xi1>, vector<16xi32>
        scf.yield %select_n3A_333, %select_n3A_335 : vector<16xf32>, vector<16xi32>
      }
      %while3A_158 = arith.constant 1 : i32
      %while3A_159:2 = scf.for %while3A_326 = %while3A_155 to %while3A_151 step %while3A_158 iter_args(%while3A_327 = %while3A_157#0, %while3A_328 = %while3A_157#1) -> (vector<16xf32>, vector<16xi32>)  : i32 {
        %mul3A_329 = arith.constant 16 : i32
        %mul3A_330 = arith.muli %while3A_326, %mul3A_329 : i32
        %get3A = arith.index_cast %mul3A_330 : i32 to index
        %get3A_331 = tpu.vector_load %arg30[%get3A] {strides = array<i32>} : memref<1424xf32, #tpu.memory_space<vmem>>, vector<16xf32>,
        %gt3A_332 = arith.cmpf ogt, %get3A_331, %while3A_327 : vector<16xf32>
        %select_n3A_333 = arith.select %gt3A_332, %get3A_331, %while3A_327 : vector<16xi1>, vector<16xf32>
        %broadcast_in_dim3A_334 = vector.broadcast %while3A_326 : i32 to vector<16xi32>
        %select_n3A_335 = arith.select %gt3A_332, %broadcast_in_dim3A_334, %while3A_328 : vector<16xi1>, vector<16xi32>
        scf.yield %select_n3A_333, %select_n3A_335 : vector<16xf32>, vector<16xi32>
      }
      %reduce_max3A = arith.constant true
      %reduce_max3A_160 = vector.broadcast %reduce_max3A : i1 to vector<16xi1>
      %reduce_max3A_161 = tpu.scan <max>, %while3A_159#0 masked %reduce_max3A_160 : vector<16xf32>, vector<16xi1> -> vector<16xf32>
      %reduce_max3A_162 = vector.extract %reduce_max3A_161[15] : f32 from vector<16xf32>
      %eq3A_163 = vector.broadcast %reduce_max3A_162 : f32 to vector<16xf32>
      %eq3A_164 = arith.cmpf oeq, %while3A_159#0, %eq3A_163 : vector<16xf32>
      %mul3A_165 = arith.constant 16 : i32
      %mul3A_166 = vector.broadcast %mul3A_165 : i32 to vector<16xi32>
      %mul3A_167 = arith.muli %while3A_159#1, %mul3A_166 : vector<16xi32>
      %add3A_168 = arith.addi %mul3A_167, %iota3A : vector<16xi32>
      %jit3A_169 = arith.constant 1073741824 : i32
      %broadcast_in_dim3A_170 = vector.broadcast %jit3A_169 : i32 to vector<16xi32>
      %select_n3A_171 = arith.select %eq3A_164, %add3A_168, %broadcast_in_dim3A_170 : vector<16xi1>, vector<16xi32>
      %reduce_min3A = arith.constant true
      %reduce_min3A_172 = vector.broadcast %reduce_min3A : i1 to vector<16xi1>
      %reduce_min3A_173 = arith.constant -2147483648 : i32
      %reduce_min3A_174 = vector.broadcast %reduce_min3A_173 : i32 to vector<16xi32>
      %reduce_min3A_175 = arith.xori %select_n3A_171, %reduce_min3A_174 : vector<16xi32>
      %reduce_min3A_176 = tpu.scan <min>, %reduce_min3A_175 masked %reduce_min3A_172 : vector<16xi32>, vector<16xi1> -> vector<16xi32>
      %reduce_min3A_177 = arith.xori %reduce_min3A_176, %reduce_min3A_174 : vector<16xi32>
      %reduce_min3A_178 = vector.extract %reduce_min3A_177[15] : i32 from vector<16xi32>
      %add3A_179 = vector.broadcast %reduce_min3A_178 : i32 to vector<16xi32>
      %add3A_180 = arith.addi %broadcast_in_dim3A_1, %add3A_179 : vector<16xi32>
      %gather3A_181 = tpu.vector_load_idx %arg31[%add3A_180] : memref<1424xf32, #tpu.memory_space<vmem>>[vector<16xi32>], vector<16xf32>,
      %gather3A_182 = tpu.vector_load_idx %arg32[%add3A_180] : memref<1424xf32, #tpu.memory_space<vmem>>[vector<16xi32>], vector<16xf32>,
      %gather3A_183 = tpu.vector_load_idx %arg33[%add3A_180] : memref<1424xf32, #tpu.memory_space<vmem>>[vector<16xi32>], vector<16xf32>,
      %gather3A_184 = tpu.vector_load_idx %arg34[%add3A_180] : memref<1424xf32, #tpu.memory_space<vmem>>[vector<16xi32>], vector<16xf32>,
      %gather3A_185 = tpu.vector_load_idx %arg35[%add3A_180] : memref<1424xf32, #tpu.memory_space<vmem>>[vector<16xi32>], vector<16xf32>,
      %gather3A_186 = tpu.vector_load_idx %arg36[%add3A_180] : memref<1424xi32, #tpu.memory_space<vmem>>[vector<16xi32>], vector<16xi32>,
      %reduce_max3A_187 = arith.constant true
      %reduce_max3A_188 = vector.broadcast %reduce_max3A_187 : i1 to vector<16xi1>
      %reduce_max3A_189 = arith.constant -2147483648 : i32
      %reduce_max3A_190 = vector.broadcast %reduce_max3A_189 : i32 to vector<16xi32>
      %reduce_max3A_191 = arith.xori %gather3A_186, %reduce_max3A_190 : vector<16xi32>
      %reduce_max3A_192 = tpu.scan <max>, %reduce_max3A_191 masked %reduce_max3A_188 : vector<16xi32>, vector<16xi1> -> vector<16xi32>
      %reduce_max3A_193 = arith.xori %reduce_max3A_192, %reduce_max3A_190 : vector<16xi32>
      %reduce_max3A_194 = vector.extract %reduce_max3A_193[15] : i32 from vector<16xi32>
      %convert_element_type3A_195 = arith.sitofp %reduce_max3A_194 : i32 to f32
      %eq3A_196 = arith.constant 0 : i32
      %eq3A_197 = vector.broadcast %eq3A_196 : i32 to vector<16xi32>
      %eq3A_198 = arith.cmpi eq, %iota3A, %eq3A_197 : vector<16xi32>
      %jit3A_199 = arith.constant 0.000000e+00 : f32
      %broadcast_in_dim3A_200 = vector.broadcast %reduce_max3A_162 : f32 to vector<16xf32>
      %broadcast_in_dim3A_201 = vector.broadcast %jit3A_199 : f32 to vector<16xf32>
      %select_n3A_202 = arith.select %eq3A_198, %broadcast_in_dim3A_200, %broadcast_in_dim3A_201 : vector<16xi1>, vector<16xf32>
      %eq3A_203 = arith.constant 1 : i32
      %eq3A_204 = vector.broadcast %eq3A_203 : i32 to vector<16xi32>
      %eq3A_205 = arith.cmpi eq, %iota3A, %eq3A_204 : vector<16xi32>
      %broadcast_in_dim3A_206 = vector.broadcast %convert_element_type3A_195 : f32 to vector<16xf32>
      %select_n3A_207 = arith.select %eq3A_205, %broadcast_in_dim3A_206, %select_n3A_202 : vector<16xi1>, vector<16xf32>
      %eq3A_208 = arith.constant 2 : i32
      %eq3A_209 = vector.broadcast %eq3A_208 : i32 to vector<16xi32>
      %eq3A_210 = arith.cmpi eq, %iota3A, %eq3A_209 : vector<16xi32>
      %select_n3A_211 = arith.select %eq3A_210, %gather3A_181, %select_n3A_207 : vector<16xi1>, vector<16xf32>
      %eq3A_212 = arith.constant 3 : i32
      %eq3A_213 = vector.broadcast %eq3A_212 : i32 to vector<16xi32>
      %eq3A_214 = arith.cmpi eq, %iota3A, %eq3A_213 : vector<16xi32>
      %select_n3A_215 = arith.select %eq3A_214, %gather3A_182, %select_n3A_211 : vector<16xi1>, vector<16xf32>
      %eq3A_216 = arith.constant 4 : i32
      %eq3A_217 = vector.broadcast %eq3A_216 : i32 to vector<16xi32>
      %eq3A_218 = arith.cmpi eq, %iota3A, %eq3A_217 : vector<16xi32>
      %select_n3A_219 = arith.select %eq3A_218, %gather3A_183, %select_n3A_215 : vector<16xi1>, vector<16xf32>
      %eq3A_220 = arith.constant 5 : i32
      %eq3A_221 = vector.broadcast %eq3A_220 : i32 to vector<16xi32>
      %eq3A_222 = arith.cmpi eq, %iota3A, %eq3A_221 : vector<16xi32>
      %select_n3A_223 = arith.select %eq3A_222, %gather3A_184, %select_n3A_219 : vector<16xi1>, vector<16xf32>
      %eq3A_224 = arith.constant 6 : i32
      %eq3A_225 = vector.broadcast %eq3A_224 : i32 to vector<16xi32>
      %eq3A_226 = arith.cmpi eq, %iota3A, %eq3A_225 : vector<16xi32>
      %select_n3A_227 = arith.select %eq3A_226, %gather3A_185, %select_n3A_223 : vector<16xi1>, vector<16xf32>
      %eq3A_228 = arith.constant 7 : i32
      %eq3A_229 = vector.broadcast %eq3A_228 : i32 to vector<16xi32>
      %eq3A_230 = arith.cmpi eq, %iota3A, %eq3A_229 : vector<16xi32>
      %broadcast_in_dim3A_231 = vector.broadcast %convert_element_type3A_146 : f32 to vector<16xf32>
      %select_n3A_232 = arith.select %eq3A_230, %broadcast_in_dim3A_231, %select_n3A_227 : vector<16xi1>, vector<16xf32>
      %swap3A_233 = arith.constant 0 : index
      %swap3A_234 = tpu.vector_load %arg37[%swap3A_233] {strides = array<i32>} : memref<16xf32, #tpu.memory_space<vmem>>, vector<16xf32>,
      tpu.vector_store %arg37[%swap3A_233], %select_n3A_232 {strides = array<i32>} : memref<16xf32, #tpu.memory_space<vmem>>, vector<16xf32>,
      %mul3A_235 = arith.constant 128 : i32
      %mul3A_236 = arith.muli %arg1, %mul3A_235 : i32
      "tpu.region"() ({
        %run_scoped3A = tpu.sem_alloc : memref<!tpu.dma_semaphore, #tpu.memory_space<semaphore_mem>>
        %dma_start3A = tpu.memref_slice %arg43[%mul3A_236] : memref<2048xf32, #tpu.memory_space<vmem_shared>> -> memref<16xf32, #tpu.memory_space<vmem_shared>>
        %dma_start3A_326 = tpu.memref_slice %arg43[%mul3A_236] : memref<2048xf32, #tpu.memory_space<vmem_shared>> -> memref<16xf32, #tpu.memory_space<vmem_shared>>
        tpu.enqueue_dma source(%arg37 : memref<16xf32, #tpu.memory_space<vmem>>) target(%dma_start3A_326 : memref<16xf32, #tpu.memory_space<vmem_shared>>) target_semaphore(%run_scoped3A : memref<!tpu.dma_semaphore, #tpu.memory_space<semaphore_mem>>)
        %dma_wait3A = tpu.memref_slice %arg43[%mul3A_236] : memref<2048xf32, #tpu.memory_space<vmem_shared>> -> memref<16xf32, #tpu.memory_space<vmem_shared>>
        %dma_wait3A_327 = tpu.memref_slice %arg43[%mul3A_236] : memref<2048xf32, #tpu.memory_space<vmem_shared>> -> memref<16xf32, #tpu.memory_space<vmem_shared>>
        tpu.wait_dma2 semaphore(%run_scoped3A : memref<!tpu.dma_semaphore, #tpu.memory_space<semaphore_mem>>) src(%arg37 : memref<16xf32, #tpu.memory_space<vmem>>) dst(%dma_wait3A_327 : memref<16xf32, #tpu.memory_space<vmem_shared>>)
        tpu.yield
      }) : () -> ()
      %barrier3A_237 = arith.constant 0 : index
      tpu.barrier barrier_id(%barrier3A_237)
      %while3A_238 = arith.constant false
      %while3A_239 = scf.while (%while3A_326 = %while3A_238) : (i1) -> i1 {
        %not3A = arith.constant true
        %not3A_327 = arith.xori %while3A_326, %not3A : i1
        scf.condition(%not3A_327) %while3A_326 : i1
      } do {
      ^bb0(%while3A_326: i1):
        "tpu.region"() ({
          %run_scoped3A = tpu.sem_alloc : memref<!tpu.dma_semaphore, #tpu.memory_space<semaphore_mem>>
          tpu.enqueue_dma source(%arg43 : memref<2048xf32, #tpu.memory_space<vmem_shared>>) target(%arg39 : memref<2048xf32, #tpu.memory_space<vmem>>) target_semaphore(%run_scoped3A : memref<!tpu.dma_semaphore, #tpu.memory_space<semaphore_mem>>)
          tpu.wait_dma2 semaphore(%run_scoped3A : memref<!tpu.dma_semaphore, #tpu.memory_space<semaphore_mem>>) src(%arg43 : memref<2048xf32, #tpu.memory_space<vmem_shared>>) dst(%arg39 : memref<2048xf32, #tpu.memory_space<vmem>>)
          tpu.yield
        }) : () -> ()
        %mul3A_327 = arith.constant 128 : i32
        %mul3A_328 = vector.broadcast %mul3A_327 : i32 to vector<16xi32>
        %mul3A_329 = arith.muli %iota3A, %mul3A_328 : vector<16xi32>
        %add3A_330 = arith.constant 7 : i32
        %add3A_331 = vector.broadcast %add3A_330 : i32 to vector<16xi32>
        %add3A_332 = arith.addi %mul3A_329, %add3A_331 : vector<16xi32>
        %gather3A_333 = tpu.vector_load_idx %arg39[%add3A_332] : memref<2048xf32, #tpu.memory_space<vmem>>[vector<16xi32>], vector<16xf32>,
        %eq3A_334 = vector.broadcast %convert_element_type3A_146 : f32 to vector<16xf32>
        %eq3A_335 = arith.cmpf oeq, %gather3A_333, %eq3A_334 : vector<16xf32>
        %jit3A_336 = arith.constant 1 : i32
        %jit3A_337 = arith.constant 0 : i32
        %broadcast_in_dim3A_338 = vector.broadcast %jit3A_336 : i32 to vector<16xi32>
        %broadcast_in_dim3A_339 = vector.broadcast %jit3A_337 : i32 to vector<16xi32>
        %select_n3A_340 = arith.select %eq3A_335, %broadcast_in_dim3A_338, %broadcast_in_dim3A_339 : vector<16xi1>, vector<16xi32>
        %reduce_sum3A_341 = arith.constant true
        %reduce_sum3A_342 = vector.broadcast %reduce_sum3A_341 : i1 to vector<16xi1>
        %reduce_sum3A_343 = tpu.scan <sum>, %select_n3A_340 masked %reduce_sum3A_342 : vector<16xi32>, vector<16xi1> -> vector<16xi32>
        %reduce_sum3A_344 = vector.extract %reduce_sum3A_343[15] : i32 from vector<16xi32>
        %eq3A_345 = arith.constant 16 : i32
        %eq3A_346 = arith.cmpi eq, %reduce_sum3A_344, %eq3A_345 : i32
        scf.yield %eq3A_346 : i1
      }
      %barrier3A_240 = arith.constant 0 : index
      tpu.barrier barrier_id(%barrier3A_240)
      %mul3A_241 = arith.constant 128 : i32
      %mul3A_242 = vector.broadcast %mul3A_241 : i32 to vector<16xi32>
      %mul3A_243 = arith.muli %iota3A, %mul3A_242 : vector<16xi32>
      %gather3A_244 = tpu.vector_load_idx %arg39[%mul3A_243] : memref<2048xf32, #tpu.memory_space<vmem>>[vector<16xi32>], vector<16xf32>,
      %mul3A_245 = arith.constant 128 : i32
      %mul3A_246 = vector.broadcast %mul3A_245 : i32 to vector<16xi32>
      %mul3A_247 = arith.muli %iota3A, %mul3A_246 : vector<16xi32>
      %add3A_248 = arith.constant 1 : i32
      %add3A_249 = vector.broadcast %add3A_248 : i32 to vector<16xi32>
      %add3A_250 = arith.addi %mul3A_247, %add3A_249 : vector<16xi32>
      %gather3A_251 = tpu.vector_load_idx %arg39[%add3A_250] : memref<2048xf32, #tpu.memory_space<vmem>>[vector<16xi32>], vector<16xf32>,
      %reduce_max3A_252 = arith.constant true
      %reduce_max3A_253 = vector.broadcast %reduce_max3A_252 : i1 to vector<16xi1>
      %reduce_max3A_254 = tpu.scan <max>, %gather3A_244 masked %reduce_max3A_253 : vector<16xf32>, vector<16xi1> -> vector<16xf32>
      %reduce_max3A_255 = vector.extract %reduce_max3A_254[15] : f32 from vector<16xf32>
      %gt3A = arith.constant -2.000000e+38 : f32
      %gt3A_256 = arith.cmpf ogt, %reduce_max3A_255, %gt3A : f32
      %eq3A_257 = vector.broadcast %reduce_max3A_255 : f32 to vector<16xf32>
      %eq3A_258 = arith.cmpf oeq, %gather3A_244, %eq3A_257 : vector<16xf32>
      %jit3A_259 = arith.constant 9.99999984E+17 : f32
      %broadcast_in_dim3A_260 = vector.broadcast %jit3A_259 : f32 to vector<16xf32>
      %select_n3A_261 = arith.select %eq3A_258, %gather3A_251, %broadcast_in_dim3A_260 : vector<16xi1>, vector<16xf32>
      %reduce_min3A_262 = arith.constant true
      %reduce_min3A_263 = vector.broadcast %reduce_min3A_262 : i1 to vector<16xi1>
      %reduce_min3A_264 = tpu.scan <min>, %select_n3A_261 masked %reduce_min3A_263 : vector<16xf32>, vector<16xi1> -> vector<16xf32>
      %reduce_min3A_265 = vector.extract %reduce_min3A_264[15] : f32 from vector<16xf32>
      %convert_element_type3A_266 = arith.fptosi %reduce_min3A_265 : f32 to i32
      %jit3A_267 = arith.constant 1408 : i32
      %div3A = arith.divsi %convert_element_type3A_266, %jit3A_267 : i32
      %sign3A = arith.constant 0 : i32
      %sign3A_268 = arith.cmpi sgt, %convert_element_type3A_266, %sign3A : i32
      %sign3A_269 = arith.extui %sign3A_268 : i1 to i32
      %sign3A_270 = arith.constant 0 : i32
      %sign3A_271 = arith.cmpi slt, %convert_element_type3A_266, %sign3A_270 : i32
      %sign3A_272 = arith.extui %sign3A_271 : i1 to i32
      %sign3A_273 = arith.subi %sign3A_269, %sign3A_272 : i32
      %sign3A_274 = arith.constant 0 : i32
      %sign3A_275 = arith.cmpi sgt, %jit3A_267, %sign3A_274 : i32
      %sign3A_276 = arith.extui %sign3A_275 : i1 to i32
      %sign3A_277 = arith.constant 0 : i32
      %sign3A_278 = arith.cmpi slt, %jit3A_267, %sign3A_277 : i32
      %sign3A_279 = arith.extui %sign3A_278 : i1 to i32
      %sign3A_280 = arith.subi %sign3A_276, %sign3A_279 : i32
      %ne3A = arith.cmpi ne, %sign3A_273, %sign3A_280 : i32
      %rem3A = arith.remsi %convert_element_type3A_266, %jit3A_267 : i32
      %ne3A_281 = arith.constant 0 : i32
      %ne3A_282 = arith.cmpi ne, %rem3A, %ne3A_281 : i32
      %and3A = arith.andi %ne3A, %ne3A_282 : i1
      %sub3A = arith.constant 1 : i32
      %sub3A_283 = arith.subi %div3A, %sub3A : i32
      %select_n3A_284 = arith.select %and3A, %sub3A_283, %div3A : i32
      %mul3A_285 = arith.constant 128 : i32
      %mul3A_286 = arith.muli %select_n3A_284, %mul3A_285 : i32
      %add3A_287 = vector.broadcast %mul3A_286 : i32 to vector<16xi32>
      %add3A_288 = arith.addi %broadcast_in_dim3A_1, %add3A_287 : vector<16xi32>
      %add3A_289 = arith.constant 2 : i32
      %add3A_290 = vector.broadcast %add3A_289 : i32 to vector<16xi32>
      %add3A_291 = arith.addi %add3A_288, %add3A_290 : vector<16xi32>
      %gather3A_292 = tpu.vector_load_idx %arg39[%add3A_291] : memref<2048xf32, #tpu.memory_space<vmem>>[vector<16xi32>], vector<16xf32>,
      %add3A_293 = vector.broadcast %mul3A_286 : i32 to vector<16xi32>
      %add3A_294 = arith.addi %broadcast_in_dim3A_1, %add3A_293 : vector<16xi32>
      %add3A_295 = arith.constant 3 : i32
      %add3A_296 = vector.broadcast %add3A_295 : i32 to vector<16xi32>
      %add3A_297 = arith.addi %add3A_294, %add3A_296 : vector<16xi32>
      %gather3A_298 = tpu.vector_load_idx %arg39[%add3A_297] : memref<2048xf32, #tpu.memory_space<vmem>>[vector<16xi32>], vector<16xf32>,
      %add3A_299 = vector.broadcast %mul3A_286 : i32 to vector<16xi32>
      %add3A_300 = arith.addi %broadcast_in_dim3A_1, %add3A_299 : vector<16xi32>
      %add3A_301 = arith.constant 4 : i32
      %add3A_302 = vector.broadcast %add3A_301 : i32 to vector<16xi32>
      %add3A_303 = arith.addi %add3A_300, %add3A_302 : vector<16xi32>
      %gather3A_304 = tpu.vector_load_idx %arg39[%add3A_303] : memref<2048xf32, #tpu.memory_space<vmem>>[vector<16xi32>], vector<16xf32>,
      %add3A_305 = vector.broadcast %mul3A_286 : i32 to vector<16xi32>
      %add3A_306 = arith.addi %broadcast_in_dim3A_1, %add3A_305 : vector<16xi32>
      %add3A_307 = arith.constant 5 : i32
      %add3A_308 = vector.broadcast %add3A_307 : i32 to vector<16xi32>
      %add3A_309 = arith.addi %add3A_306, %add3A_308 : vector<16xi32>
      %gather3A_310 = tpu.vector_load_idx %arg39[%add3A_309] : memref<2048xf32, #tpu.memory_space<vmem>>[vector<16xi32>], vector<16xf32>,
      %add3A_311 = vector.broadcast %mul3A_286 : i32 to vector<16xi32>
      %add3A_312 = arith.addi %broadcast_in_dim3A_1, %add3A_311 : vector<16xi32>
      %add3A_313 = arith.constant 6 : i32
      %add3A_314 = vector.broadcast %add3A_313 : i32 to vector<16xi32>
      %add3A_315 = arith.addi %add3A_312, %add3A_314 : vector<16xi32>
      %gather3A_316 = tpu.vector_load_idx %arg39[%add3A_315] : memref<2048xf32, #tpu.memory_space<vmem>>[vector<16xi32>], vector<16xf32>,
      %convert_element_type3A_317 = arith.extui %gt3A_256 : i1 to i32
      %cond3A_318 = arith.constant 0 : i32
      %cond3A_319 = arith.cmpi ne, %convert_element_type3A_317, %cond3A_318 : i32
      scf.if %cond3A_319 {
        %while3A_326 = arith.constant 0 : i32
        %while3A_327 = arith.constant 0 : i32
        %while3A_328 = arith.subi %shift_right_arithmetic3A_131, %while3A_327 : i32
        %while3A_329 = arith.addi %while3A_327, %while3A_328 : i32
        %while3A_330 = arith.constant 1 : i32
        %while3A_331 = arith.divsi %while3A_328, %while3A_330 : i32
        %while3A_332 = arith.muli %while3A_331, %while3A_330 : i32
        %while3A_333 = arith.addi %while3A_327, %while3A_332 : i32
        %while3A_334 = arith.constant 1 : i32
        scf.for %while3A_336 = %while3A_327 to %while3A_333 step %while3A_334  : i32 {
          %mul3A_337 = arith.constant 16 : i32
          %mul3A_338 = arith.muli %while3A_336, %mul3A_337 : i32
          %get3A = arith.index_cast %mul3A_338 : i32 to index
          %get3A_339 = tpu.vector_load %arg31[%get3A] {strides = array<i32>} : memref<1424xf32, #tpu.memory_space<vmem>>, vector<16xf32>,
          %max3A = arith.maximumf %gather3A_292, %get3A_339 : vector<16xf32>
          %get3A_340 = arith.index_cast %mul3A_338 : i32 to index
          %get3A_341 = tpu.vector_load %arg32[%get3A_340] {strides = array<i32>} : memref<1424xf32, #tpu.memory_space<vmem>>, vector<16xf32>,
          %max3A_342 = arith.maximumf %gather3A_298, %get3A_341 : vector<16xf32>
          %get3A_343 = arith.index_cast %mul3A_338 : i32 to index
          %get3A_344 = tpu.vector_load %arg33[%get3A_343] {strides = array<i32>} : memref<1424xf32, #tpu.memory_space<vmem>>, vector<16xf32>,
          %min3A = arith.minimumf %gather3A_304, %get3A_344 : vector<16xf32>
          %get3A_345 = arith.index_cast %mul3A_338 : i32 to index
          %get3A_346 = tpu.vector_load %arg34[%get3A_345] {strides = array<i32>} : memref<1424xf32, #tpu.memory_space<vmem>>, vector<16xf32>,
          %min3A_347 = arith.minimumf %gather3A_310, %get3A_346 : vector<16xf32>
          %sub3A_348 = arith.subf %min3A, %max3A : vector<16xf32>
          %add3A_349 = arith.constant 1.000000e+00 : f32
          %add3A_350 = vector.broadcast %add3A_349 : f32 to vector<16xf32>
          %add3A_351 = arith.addf %sub3A_348, %add3A_350 : vector<16xf32>
          %max3A_352 = arith.constant 0.000000e+00 : f32
          %max3A_353 = vector.broadcast %max3A_352 : f32 to vector<16xf32>
          %max3A_354 = arith.maximumf %max3A_353, %add3A_351 : vector<16xf32>
          %sub3A_355 = arith.subf %min3A_347, %max3A_342 : vector<16xf32>
          %add3A_356 = arith.constant 1.000000e+00 : f32
          %add3A_357 = vector.broadcast %add3A_356 : f32 to vector<16xf32>
          %add3A_358 = arith.addf %sub3A_355, %add3A_357 : vector<16xf32>
          %max3A_359 = arith.constant 0.000000e+00 : f32
          %max3A_360 = vector.broadcast %max3A_359 : f32 to vector<16xf32>
          %max3A_361 = arith.maximumf %max3A_360, %add3A_358 : vector<16xf32>
          %mul3A_362 = arith.mulf %max3A_354, %max3A_361 : vector<16xf32>
          %mul3A_363 = arith.constant 1.700000e+00 : f32
          %mul3A_364 = vector.broadcast %mul3A_363 : f32 to vector<16xf32>
          %mul3A_365 = arith.mulf %mul3A_362, %mul3A_364 : vector<16xf32>
          %get3A_366 = arith.index_cast %mul3A_338 : i32 to index
          %get3A_367 = tpu.vector_load %arg35[%get3A_366] {strides = array<i32>} : memref<1424xf32, #tpu.memory_space<vmem>>, vector<16xf32>,
          %add3A_368 = arith.addf %gather3A_316, %get3A_367 : vector<16xf32>
          %mul3A_369 = arith.constant 0.699999988 : f32
          %mul3A_370 = vector.broadcast %mul3A_369 : f32 to vector<16xf32>
          %mul3A_371 = arith.mulf %mul3A_370, %add3A_368 : vector<16xf32>
          %gt3A_372 = arith.cmpf ogt, %mul3A_365, %mul3A_371 : vector<16xf32>
          %get3A_373 = arith.index_cast %mul3A_338 : i32 to index
          %get3A_374 = tpu.vector_load %arg30[%get3A_373] {strides = array<i32>} : memref<1424xf32, #tpu.memory_space<vmem>>, vector<16xf32>,
          %jit3A_375 = arith.constant -3.000000e+38 : f32
          %broadcast_in_dim3A_376 = vector.broadcast %jit3A_375 : f32 to vector<16xf32>
          %select_n3A_377 = arith.select %gt3A_372, %broadcast_in_dim3A_376, %get3A_374 : vector<16xi1>, vector<16xf32>
          %swap3A_378 = arith.index_cast %mul3A_338 : i32 to index
          %swap3A_379 = tpu.vector_load %arg30[%swap3A_378] {strides = array<i32>} : memref<1424xf32, #tpu.memory_space<vmem>>, vector<16xf32>,
          tpu.vector_store %arg30[%swap3A_378], %select_n3A_377 {strides = array<i32>} : memref<1424xf32, #tpu.memory_space<vmem>>, vector<16xf32>,
        }
        %while3A_335 = arith.constant 1 : i32
        scf.for %while3A_336 = %while3A_333 to %while3A_329 step %while3A_335  : i32 {
          %mul3A_337 = arith.constant 16 : i32
          %mul3A_338 = arith.muli %while3A_336, %mul3A_337 : i32
          %get3A = arith.index_cast %mul3A_338 : i32 to index
          %get3A_339 = tpu.vector_load %arg31[%get3A] {strides = array<i32>} : memref<1424xf32, #tpu.memory_space<vmem>>, vector<16xf32>,
          %max3A = arith.maximumf %gather3A_292, %get3A_339 : vector<16xf32>
          %get3A_340 = arith.index_cast %mul3A_338 : i32 to index
          %get3A_341 = tpu.vector_load %arg32[%get3A_340] {strides = array<i32>} : memref<1424xf32, #tpu.memory_space<vmem>>, vector<16xf32>,
          %max3A_342 = arith.maximumf %gather3A_298, %get3A_341 : vector<16xf32>
          %get3A_343 = arith.index_cast %mul3A_338 : i32 to index
          %get3A_344 = tpu.vector_load %arg33[%get3A_343] {strides = array<i32>} : memref<1424xf32, #tpu.memory_space<vmem>>, vector<16xf32>,
          %min3A = arith.minimumf %gather3A_304, %get3A_344 : vector<16xf32>
          %get3A_345 = arith.index_cast %mul3A_338 : i32 to index
          %get3A_346 = tpu.vector_load %arg34[%get3A_345] {strides = array<i32>} : memref<1424xf32, #tpu.memory_space<vmem>>, vector<16xf32>,
          %min3A_347 = arith.minimumf %gather3A_310, %get3A_346 : vector<16xf32>
          %sub3A_348 = arith.subf %min3A, %max3A : vector<16xf32>
          %add3A_349 = arith.constant 1.000000e+00 : f32
          %add3A_350 = vector.broadcast %add3A_349 : f32 to vector<16xf32>
          %add3A_351 = arith.addf %sub3A_348, %add3A_350 : vector<16xf32>
          %max3A_352 = arith.constant 0.000000e+00 : f32
          %max3A_353 = vector.broadcast %max3A_352 : f32 to vector<16xf32>
          %max3A_354 = arith.maximumf %max3A_353, %add3A_351 : vector<16xf32>
          %sub3A_355 = arith.subf %min3A_347, %max3A_342 : vector<16xf32>
          %add3A_356 = arith.constant 1.000000e+00 : f32
          %add3A_357 = vector.broadcast %add3A_356 : f32 to vector<16xf32>
          %add3A_358 = arith.addf %sub3A_355, %add3A_357 : vector<16xf32>
          %max3A_359 = arith.constant 0.000000e+00 : f32
          %max3A_360 = vector.broadcast %max3A_359 : f32 to vector<16xf32>
          %max3A_361 = arith.maximumf %max3A_360, %add3A_358 : vector<16xf32>
          %mul3A_362 = arith.mulf %max3A_354, %max3A_361 : vector<16xf32>
          %mul3A_363 = arith.constant 1.700000e+00 : f32
          %mul3A_364 = vector.broadcast %mul3A_363 : f32 to vector<16xf32>
          %mul3A_365 = arith.mulf %mul3A_362, %mul3A_364 : vector<16xf32>
          %get3A_366 = arith.index_cast %mul3A_338 : i32 to index
          %get3A_367 = tpu.vector_load %arg35[%get3A_366] {strides = array<i32>} : memref<1424xf32, #tpu.memory_space<vmem>>, vector<16xf32>,
          %add3A_368 = arith.addf %gather3A_316, %get3A_367 : vector<16xf32>
          %mul3A_369 = arith.constant 0.699999988 : f32
          %mul3A_370 = vector.broadcast %mul3A_369 : f32 to vector<16xf32>
          %mul3A_371 = arith.mulf %mul3A_370, %add3A_368 : vector<16xf32>
          %gt3A_372 = arith.cmpf ogt, %mul3A_365, %mul3A_371 : vector<16xf32>
          %get3A_373 = arith.index_cast %mul3A_338 : i32 to index
          %get3A_374 = tpu.vector_load %arg30[%get3A_373] {strides = array<i32>} : memref<1424xf32, #tpu.memory_space<vmem>>, vector<16xf32>,
          %jit3A_375 = arith.constant -3.000000e+38 : f32
          %broadcast_in_dim3A_376 = vector.broadcast %jit3A_375 : f32 to vector<16xf32>
          %select_n3A_377 = arith.select %gt3A_372, %broadcast_in_dim3A_376, %get3A_374 : vector<16xi1>, vector<16xf32>
          %swap3A_378 = arith.index_cast %mul3A_338 : i32 to index
          %swap3A_379 = tpu.vector_load %arg30[%swap3A_378] {strides = array<i32>} : memref<1424xf32, #tpu.memory_space<vmem>>, vector<16xf32>,
          tpu.vector_store %arg30[%swap3A_378], %select_n3A_377 {strides = array<i32>} : memref<1424xf32, #tpu.memory_space<vmem>>, vector<16xf32>,
        }
      } else {
      }
      %eq3A_320 = arith.constant 0 : i32
      %eq3A_321 = arith.cmpi eq, %arg1, %eq3A_320 : i32
      %and3A_322 = arith.andi %gt3A_256, %eq3A_321 : i1
      %convert_element_type3A_323 = arith.extui %and3A_322 : i1 to i32
      %cond3A_324 = arith.constant 0 : i32
      %cond3A_325 = arith.cmpi ne, %convert_element_type3A_323, %cond3A_324 : i32
      scf.if %cond3A_325 {
        %eq3A_326 = arith.constant 1 : i32
        %eq3A_327 = vector.broadcast %eq3A_326 : i32 to vector<16xi32>
        %eq3A_328 = arith.cmpi eq, %iota3A, %eq3A_327 : vector<16xi32>
        %jit3A_329 = arith.constant 0.000000e+00 : f32
        %broadcast_in_dim3A_330 = vector.broadcast %jit3A_329 : f32 to vector<16xf32>
        %select_n3A_331 = arith.select %eq3A_328, %gather3A_292, %broadcast_in_dim3A_330 : vector<16xi1>, vector<16xf32>
        %eq3A_332 = arith.constant 2 : i32
        %eq3A_333 = vector.broadcast %eq3A_332 : i32 to vector<16xi32>
        %eq3A_334 = arith.cmpi eq, %iota3A, %eq3A_333 : vector<16xi32>
        %select_n3A_335 = arith.select %eq3A_334, %gather3A_298, %select_n3A_331 : vector<16xi1>, vector<16xf32>
        %eq3A_336 = arith.constant 3 : i32
        %eq3A_337 = vector.broadcast %eq3A_336 : i32 to vector<16xi32>
        %eq3A_338 = arith.cmpi eq, %iota3A, %eq3A_337 : vector<16xi32>
        %select_n3A_339 = arith.select %eq3A_338, %gather3A_304, %select_n3A_335 : vector<16xi1>, vector<16xf32>
        %eq3A_340 = arith.constant 4 : i32
        %eq3A_341 = vector.broadcast %eq3A_340 : i32 to vector<16xi32>
        %eq3A_342 = arith.cmpi eq, %iota3A, %eq3A_341 : vector<16xi32>
        %select_n3A_343 = arith.select %eq3A_342, %gather3A_310, %select_n3A_339 : vector<16xi1>, vector<16xf32>
        %mul3A_344 = arith.constant 16 : i32
        %mul3A_345 = arith.muli %scan3A_143, %mul3A_344 : i32
        %add3A_346 = vector.broadcast %mul3A_345 : i32 to vector<16xi32>
        %add3A_347 = arith.addi %add3A_346, %iota3A : vector<16xi32>
        %lt3A = arith.constant 5 : i32
        %lt3A_348 = vector.broadcast %lt3A : i32 to vector<16xi32>
        %lt3A_349 = arith.cmpi slt, %iota3A, %lt3A_348 : vector<16xi32>
        tpu.vector_store_idx %arg41[%add3A_347], %select_n3A_343 masked %lt3A_349 : memref<4864xf32, #tpu.memory_space<vmem>>[vector<16xi32>], vector<16xf32>, vector<16xi1>
      } else {
      }
    }
    %scan3A_137 = arith.constant 300 : i32
    %eq3A_138 = arith.constant 0 : i32
    %eq3A_139 = arith.cmpi eq, %arg1, %eq3A_138 : i32
    %convert_element_type3A_140 = arith.extui %eq3A_139 : i1 to i32
    %cond3A_141 = arith.constant 0 : i32
    %cond3A_142 = arith.cmpi ne, %convert_element_type3A_140, %cond3A_141 : i32
    scf.if %cond3A_142 {
      "tpu.region"() ({
        %run_scoped3A = tpu.sem_alloc : memref<!tpu.dma_semaphore, #tpu.memory_space<semaphore_mem>>
        tpu.enqueue_dma source(%arg41 : memref<4864xf32, #tpu.memory_space<vmem>>) target(%arg12 : memref<4864xf32, #tpu.memory_space<hbm>>) target_semaphore(%run_scoped3A : memref<!tpu.dma_semaphore, #tpu.memory_space<semaphore_mem>>)
        tpu.wait_dma2 semaphore(%run_scoped3A : memref<!tpu.dma_semaphore, #tpu.memory_space<semaphore_mem>>) src(%arg41 : memref<4864xf32, #tpu.memory_space<vmem>>) dst(%arg12 : memref<4864xf32, #tpu.memory_space<hbm>>)
        tpu.yield
      }) : () -> ()
    } else {
    }
    return
  }
}

</mosaic_0001>

<sc_bundles>
// kernel: kernel.3.cloned.1.call-start
scs
__scs_entry_jumppad:
0x0: {  	(pc) =	sbr.rel $0x88, $3  }
0x1: {  	(tag) =	ssettag $0x0;
	lr =	simm.s32 $0x1  }
0x2: {  	[smem:$0x3F9F] =	sst lr;
	_ =	strace $0xD0000000  }
0x3: {  	_ = 	snop  }
0x4: {  	_ = 	snop  }
0x5: {  	_ = 	snop  }
0x6: {  	_ = 	snop  }
0x7: {  	_ = 	snop  }
__scs_overlays_trampoline_lowered:
0x8: {  	[smem:$0x3FAE] =	sst s0  }
0x9: {  	[smem:$0x3FAF] =	sst s1  }
0xa: {  	[smem:$0x3FB0] =	sst s2  }
0xb: {  	[smem:$0x3FB1] =	sst s3  }
0xc: {  	[smem:$0x3FB2] =	sst s4  }
0xd: {  	[smem:$0x3FB3] =	sst s5  }
0xe: {  	[smem:$0x3FB4] =	sst s6  }
0xf: {  	[smem:$0x3FB5] =	sst s7  }
0x10: {  	[smem:$0x3FB6] =	sst s8  }
0x11: {  	[smem:$0x3FB7] =	sst s9;
	s0 =	simm.s32 @!p0 $0x0  }
0x12: {  	s1 =	sld [smem:$0x3F9D];
	s0 =	simm.s32 @p0 $0x1  }
0x13: {  	[smem:$0x3FB8] =	sst s0;
	s0 =	simm.s32 @!p1 $0x0  }
0x14: {  	s2 =	sld [smem:$0x3F9C];
	s0 =	simm.s32 @p1 $0x1  }
0x15: {  	[smem:$0x3FB9] =	sst s0;
	s0 =	simm.s32 @!p2 $0x0  }
0x16: {  	s3 =	sld [smem:$0x3FDB];
	s0 =	simm.s32 @p2 $0x1  }
0x17: {  	s4 =	simm.s32 $0x1BF5;
	[smem:$0x3FBB] =	sst s0  }
0x18: {  	s0 =	sld [smem:$0x3F9E];
	_ =	swait.ge [sflag:s4], $0x0  }
0x19: {  	s7 =	sld [smem:$0x3F9F]  }
0x1a: {  	s8 =	sadd.s32 $0xFFFFE003, lr  }
0x1b: {  	s9 =	sadd.s32 $0xFFFFFEF7, lr;
	s5 =	simm.s32 $0xFFFFFFFF;
	p2 =	slt.u32 s8, $0xFFFFF086  }
0x1c: {  	p1 =	slt.u32 s9, $0xF7A;
	s5 =	simm.s32 @!p2 $0x0  }
0x1d: {  	s5 =	simm.s32 @p1 $0x1;
	p0 =	seq.s32 s7, s2  }
0x1e: {  	s7 =	smul.u32 @!p0 $0xF7A, s2;
	p2 =	seq.s32 @!p0 s5, $0x0  }
0x1f: {  	s9 =	smul.u32 $0xF7A, s1;
	s8 =	simm.s32 @!p0 $0x1BF5;
	p2 =	por !p2, p0  }
0x20: {  	[sflag:s8] =	ssyncset.s32 @!p0 $0xFFFFF086;
	s6 =	sadd.s32 @!p0 s3, s7;
	s7 =	simm.s32 @!p0 $0x108  }
0x21: {  	s3 =	sadd.s32 s3, s9;
	s6 =	sadd.s32 @!p0 $0x88, s6;
	s7 =	simm.s32 @p2 $0x1082  }
0x22: {  	[simem:s7], [sflag:s8] =	dma.local @!p0 [hbm:s6], $0xF7A  }
0x23: {  	s9 =	sor.u32 $0xD0000000, s2;
	s6 =	simm.s32 $0x108;
	_ =	swait.ge @!p0 [sflag:s8], $0x0  }
0x24: {  	s3 =	sadd.s32 $0x88, s3;
	s6 =	simm.s32 @!p1 $0x1082;
	[sflag:s4] =	ssyncset.s32 $0xFFFFF086  }
0x25: {  	[simem:s6], [sflag:s4] =	dma.local [hbm:s3], $0xF7A  }
0x26: {  	[smem:$0x3F9F] =	sst s1;
	(tag) =	ssettag s2;
	_ =	strace s9  }
0x27: {  	s1 =	sld [smem:$0x3FAF]  }
0x28: {  	s2 =	sld [smem:$0x3FB0]  }
0x29: {  	s4 =	sld [smem:$0x3FB2]  }
0x2a: {  	p0 =	seq.s32 s5, $0x0;
	s5 =	sld [smem:$0x3FB3]  }
0x2b: {  	s6 =	sld [smem:$0x3FB4]  }
0x2c: {  	s7 =	sld [smem:$0x3FB5]  }
0x2d: {  	s3 =	simm.s32 $0x108;
	s8 =	sld [smem:$0x3FB6]  }
0x2e: {  	s3 =	simm.s32 @!p0 $0x1082;
	s9 =	sld [smem:$0x3FB7]  }
0x2f: {  	lr =	sadd.s32 s0, s3;
	s0 =	sld [smem:$0x3FAE]  }
0x30: {  	s3 =	sld [smem:$0x3FB1]  }
0x31: {  	[smem:$0x3FBA] =	sst s10  }
0x32: {  	s10 =	sld [smem:$0x3FB8];
	_ =	sdelay $0x3  }
0x33: {  	p0 =	seq.s32 s10, $0x1;
	s10 =	sld [smem:$0x3FBA];
	_ =	sdelay $0x3  }
0x34: {  	[smem:$0x3FBA] =	sst s10  }
0x35: {  	s10 =	sld [smem:$0x3FB9];
	_ =	sdelay $0x3  }
0x36: {  	p1 =	seq.s32 s10, $0x1;
	s10 =	sld [smem:$0x3FBA];
	_ =	sdelay $0x3  }
0x37: {  	[smem:$0x3FBA] =	sst s10  }
0x38: {  	s10 =	sld [smem:$0x3FBB]  }
0x39: {  	_ = 	snop;
	(pc) =	sbr.ind lr, $3  }
0x3a: {  	_ = 	snop  }
0x3b: {  	_ = 	snop  }
0x3c: {  	p2 =	seq.s32 s10, $0x1;
	s10 =	sld [smem:$0x3FBA]  }
0x3d: {  	_ =	shalt  }
0x3e: {  	_ =	shalt  }
0x3f: {  	_ =	shalt  }
0x40: {  	_ =	shalt  }
0x41: {  	_ =	shalt  }
0x42: {  	_ =	shalt  }
0x43: {  	_ =	shalt  }
0x44: {  	_ =	shalt  }
0x45: {  	_ =	shalt  }
0x46: {  	_ =	shalt  }
0x47: {  	_ =	shalt  }
0x48: {  	_ =	shalt  }
0x49: {  	_ =	shalt  }
0x4a: {  	_ =	shalt  }
0x4b: {  	_ =	shalt  }
0x4c: {  	_ =	shalt  }
0x4d: {  	_ =	shalt  }
0x4e: {  	_ =	shalt  }
0x4f: {  	_ =	shalt  }
0x50: {  	_ =	shalt  }
0x51: {  	_ =	shalt  }
0x52: {  	_ =	shalt  }
0x53: {  	_ =	shalt  }
0x54: {  	_ =	shalt  }
0x55: {  	_ =	shalt  }
0x56: {  	_ =	shalt  }
0x57: {  	_ =	shalt  }
0x58: {  	_ =	shalt  }
0x59: {  	_ =	shalt  }
0x5a: {  	_ =	shalt  }
0x5b: {  	_ =	shalt  }
0x5c: {  	_ =	shalt  }
0x5d: {  	_ =	shalt  }
0x5e: {  	_ =	shalt  }
0x5f: {  	_ =	shalt  }
0x60: {  	_ =	shalt  }
0x61: {  	_ =	shalt  }
0x62: {  	_ =	shalt  }
0x63: {  	_ =	shalt  }
0x64: {  	_ =	shalt  }
0x65: {  	_ =	shalt  }
0x66: {  	_ =	shalt  }
0x67: {  	_ =	shalt  }
0x68: {  	_ =	shalt  }
0x69: {  	_ =	shalt  }
0x6a: {  	_ =	shalt  }
0x6b: {  	_ =	shalt  }
0x6c: {  	_ =	shalt  }
0x6d: {  	_ =	shalt  }
0x6e: {  	_ =	shalt  }
0x6f: {  	_ =	shalt  }
0x70: {  	_ =	shalt  }
0x71: {  	_ =	shalt  }
0x72: {  	_ =	shalt  }
0x73: {  	_ =	shalt  }
0x74: {  	_ =	shalt  }
0x75: {  	_ =	shalt  }
0x76: {  	_ =	shalt  }
0x77: {  	_ =	shalt  }
0x78: {  	_ =	shalt  }
0x79: {  	_ =	shalt  }
0x7a: {  	_ =	shalt  }
0x7b: {  	_ =	shalt  }
0x7c: {  	_ =	shalt  }
0x7d: {  	_ =	shalt  }
0x7e: {  	_ =	shalt  }
0x7f: {  	_ =	shalt  }
0x80: {  	_ =	shalt  }
0x81: {  	_ =	shalt  }
0x82: {  	_ =	shalt  }
0x83: {  	_ =	shalt  }
0x84: {  	_ =	shalt  }
0x85: {  	_ =	shalt  }
0x86: {  	_ =	shalt  }
0x87: {  	_ =	shalt  }
.Lfunc_end0:
.L_simem_size_0:
called_computation_lowered:
.L_overlay_start_0:
0x88: {  	s0 =	sld [smem:$0x3FD9]  }
0x89: {  	s1 =	sld [smem:$0x3FFE];
	_ =	sdelay $0x3  }
0x8a: {  	s0 =	sadd.s32 s1, s0  }
0x8b: {  	[smem:$0x3FC6] =	sst s0  }
0x8c: {  	_ = 	snop  }
0x8d: {  	(tm) =	ssettm $0x1  }
0x8e: {  	s15 =	sld [smem:$0x3FFB];
	_ =	sdelay $0x3  }
0x8f: {  	_ =	strace s15  }
0x90: {  	s0 =	sld [smem:$0x3FFC];
	_ =	sdelay $0x3  }
0x91: {  	_ =	strace s0  }
0x92: {  	s0 =	sld [smem:$0x3FFD];
	_ =	sdelay $0x3  }
0x93: {  	_ =	strace s0  }
0x94: {  	_ =	strace $0x8FFFFFFF  }
0x95: {  	s16 =	sld [smem:$0x3FDB];
	_ =	sdelay $0x1  }
0x96: {  	s17 =	simm.s32 $_scs_section_size  }
0x97: {  	s2 =	simm.s32 $_size__tile_overlayer_lowered;
	s3 =	simm.s32 $_tile_overlayer_lowered  }
0x98: {  	s20 =	simm.s32 $0x1BFF;
	s19 =	sshll.u32 s3, $0x1;
	s0 =	sadd.s32 s17, s16  }
0x99: {  	s4 =	simm.s32 $0x0;
	s18 =	sshll.u32 s2, $0x1;
	s2 =	sadd.s32 s19, s0  }
0x9a: {  	[timem:s4], [sflag:s20] =	dma.local [hbm:s2], s18  }
0x9b: {  	_ =	swait.ge [sflag:s20], s18  }
0x9c: {  	s1 =	ssub.s32 $0x0, s18;
	[sflag:s20] =	ssyncset.done $0x0  }
0x9d: {  	[sflag:s20] =	ssyncadd.s32 s1;
	_ =	sdelay $0x1  }
0x9e: {  	s21 =	simm.s32 $0x1B8B  }
0x9f: {  	_ =	swait.ge [sflag:s21], $0x1  }
0xa0: {  	[sflag:s21] =	ssyncset.done $0x0  }
0xa1: {  	s23 =	simm.s32 $0x1B8E;
	s22 =	sld [smem:$0x3FFE];
	[sflag:s21] =	ssyncadd.s32 $0xFFFFFFFF  }
0xa2: {  	s24 =	simm.s32 $execute0_lowered;
	[smem:$0x3FD2] =	sst s23  }
0xa3: {  	s2 =	sshll.u32 s24, $0x1;
	_ =	strace $0x80000046;
	[dreg:$0x1] =	wrdreg $0xFFFFFFFF  }
0xa4: {  	s25 =	simm.s32 $_size_execute0_lowered;
	s0 =	sadd.s32 s0, s2;
	[dreg:$0x0] =	wrdreg $0x0  }
0xa5: {  	s2 =	sshll.u32 s25, $0x1;
	[dreg:$0x2] =	wrdreg s0  }
0xa6: {  	[dreg:$0x3] =	wrdreg s2  }
0xa7: {  	[dreg:$0x4] =	wrdreg $0xC0  }
0xa8: {  	_ =	task [dreg:s4], $0x5FFFF  }
0xa9: {  	[dreg:$0x1] =	wrdreg $0xFFFFFFFF  }
0xaa: {  	[dreg:$0x0] =	wrdreg $0x60  }
0xab: {  	[dreg:$0x2] =	wrdreg s22  }
0xac: {  	[dreg:$0x3] =	wrdreg $0xAB800  }
0xad: {  	[dreg:$0x4] =	wrdreg $0xAC000  }
0xae: {  	[dreg:$0x5] =	wrdreg $0x9  }
0xaf: {  	_ =	task.clear_ibuf [dreg:s4], $0x6FFFF;
	_ =	strace $0x90000046  }
0xb0: {  	s26 =	simm.s32 $0x9;
	_ =	strace $0x80000048  }
0xb1: {  	_ =	swait.ge [sflag:s26], $0x1  }
0xb2: {  	[sflag:s26] =	ssyncadd.s32 $0xFFFFFFFF  }
0xb3: {  	_ =	strace $0x90000048  }
0xb4: {  	_ =	sfence  }
0xb5: {  	s28 =	sld [smem:$0x0];
	_ =	sdelay $0x1  }
0xb6: {  	s29 =	srdreg.scid  }
0xb7: {  	s30 =	sshll.u32 s29, $0xD;
	s31 =	sshrl.u32 s29, $0x2  }
0xb8: {  	s1 =	sand.u32 $0x1, s29;
	s2 =	sand.u32 $0x4000, s30;
	s0 =	sadd.s32 s31, s28  }
0xb9: {  	s1 =	sor.u32 s2, s1;
	s0 =	sshll.u32 s0, $0x11  }
0xba: {  	s0 =	sor.u32 s0, s1  }
0xbb: {  	s0 =	sadd.s32 $0x8F2B, s0  }
0xbc: {  	[sflag:s0] =	ssyncadd.remote.s32 $0x1  }
0xbd: {  	_ =	sfence.sel $0xFFFF  }
0xbe: {  	[dreg:$0x0] =	wrdreg $0xFFFFFFFF;
	(pc) =	sbr.abs _section_cstart, $3  }
0xbf: {  	[dreg:$0x1] =	wrdreg $0xFFFFFFFF  }
0xc0: {  	_ =	task.clear_ibuf [dreg:s4], $0x2FFFF;
	_ =	strace $0x9FFFFFFF  }
0xc1: {  	(tm) =	ssettm $0x7FFFFFFF  }
tec
execute0_lowered:
.L_overlay_start_1:
0x0: {  	(tag) =	ssettag $0x1  }
0x1: {  	s3 =	rddreg [dreg:$0x0]  }
0x2: {  	s6 =	rddreg [dreg:$0x1]  }
0x3: {  	s1 =	rddreg [dreg:$0x2]  }
0x4: {  	s0 =	rddreg [dreg:$0x3];
	s8 =	simm.s32 $0x0;
	s4 =	stileid.u32  }
0x5: {  	v0 =	vimm.s32 $0x0;
	s5 =	simm.s32 $0x8800;
	[smem:$0x7FF] =	sst s8;
	s2 =	sshll.u32 s4, $0x7  }
0x6: {  	s9 =	simm.s32 $0x1;
	_ =	strace $0x80000047;
	s7 =	sadd.s32 s2, s6;
	[tilespmem:$0x8800] =	vst v0  }
0x7: {  	[spmem:s7] =	stream.linear.scatter [tilespmem:s5], [sflag:$0x1], $0x10, $0x38;
	[tilespmem:$0xAC80] =	vst v63  }
0x8: {  	_ =	swait.ge [sflag:s9], $0x10  }
0x9: {  	[sflag:s9] =	ssyncset.done $0x0  }
0xa: {  	v0 =	vimm.f32 $0.0e+00;
	[sflag:s9] =	ssyncadd.s32 $0xFFFFFFF0  }
0xb: {  	s10 =	simm.s32 $0x8780;
	s2 =	sadd.s32 s2, s1;
	s5 =	smul.u32 $0x580, s4;
	[tilespmem:$0x8780] =	vst v0  }
0xc: {  	[spmem:s2] =	stream.linear.scatter [tilespmem:s10], [sflag:$0x1], $0x10, $0x38;
	[tilespmem:$0xAC80] =	vst v63  }
0xd: {  	_ =	swait.ge [sflag:s9], $0x10  }
0xe: {  	s15 =	sshrl.u32 s5, $0x3;
	[sflag:s9] =	ssyncset.done $0x0  }
0xf: {  	s10 =	sadd.s32 s3, s15;
	[sflag:s9] =	ssyncadd.s32 $0xFFFFFFF0  }
0x10: {  	[tilespmem:s8], [sflag:$0x1] =	stream.linear.gather [hbm4b:s10+s8], $0x580, $0x38;
	[tilespmem:$0xAC80] =	vst v63  }
0x11: {  	_ =	swait.ge [sflag:s9], $0x580  }
0x12: {  	[sflag:s9] =	ssyncset.done $0x0  }
0x13: {  	s12 =	simm.s32 $0x580;
	s11 =	sadd.s32 $0xC00, s10;
	[sflag:s9] =	ssyncadd.s32 $0xFFFFFA80  }
0x14: {  	[tilespmem:s12], [sflag:$0x1] =	stream.linear.gather [hbm4b:s11+s8], $0x580, $0x38;
	[tilespmem:$0xAC80] =	vst v63  }
0x15: {  	_ =	swait.ge [sflag:s9], $0x580  }
0x16: {  	[sflag:s9] =	ssyncset.done $0x0  }
0x17: {  	s17 =	simm.s32 $0xB00;
	s16 =	sadd.s32 $0x1800, s10;
	[sflag:s9] =	ssyncadd.s32 $0xFFFFFA80  }
0x18: {  	[tilespmem:s17], [sflag:$0x1] =	stream.linear.gather [hbm4b:s16+s8], $0x580, $0x38;
	[tilespmem:$0xAC80] =	vst v63  }
0x19: {  	_ =	swait.ge [sflag:s9], $0x580  }
0x1a: {  	[sflag:s9] =	ssyncset.done $0x0  }
0x1b: {  	s19 =	simm.s32 $0x1080;
	s18 =	sadd.s32 $0x2400, s10;
	[sflag:s9] =	ssyncadd.s32 $0xFFFFFA80  }
0x1c: {  	[tilespmem:s19], [sflag:$0x1] =	stream.linear.gather [hbm4b:s18+s8], $0x580, $0x38;
	[tilespmem:$0xAC80] =	vst v63  }
0x1d: {  	_ =	swait.ge [sflag:s9], $0x580  }
0x1e: {  	[sflag:s9] =	ssyncset.done $0x0  }
0x1f: {  	s21 =	simm.s32 $0x1600;
	s20 =	sadd.s32 $0x3000, s10;
	[sflag:s9] =	ssyncadd.s32 $0xFFFFFA80  }
0x20: {  	[tilespmem:s21], [sflag:$0x1] =	stream.linear.gather [hbm4b:s20+s8], $0x580, $0x38;
	[tilespmem:$0xAC80] =	vst v63  }
0x21: {  	_ =	swait.ge [sflag:s9], $0x580  }
0x22: {  	[sflag:s9] =	ssyncset.done $0x0  }
0x23: {  	s23 =	simm.s32 $0x1B80;
	s22 =	sadd.s32 $0x3C00, s10;
	[sflag:s9] =	ssyncadd.s32 $0xFFFFFA80  }
0x24: {  	[tilespmem:s23], [sflag:$0x1] =	stream.linear.gather [hbm4b:s22+s8], $0x580, $0x38;
	[tilespmem:$0xAC80] =	vst v63  }
0x25: {  	_ =	swait.ge [sflag:s9], $0x580  }
0x26: {  	[sflag:s9] =	ssyncset.done $0x0  }
0x27: {  	s25 =	simm.s32 $0x2100;
	s24 =	sadd.s32 $0x4800, s10;
	[sflag:s9] =	ssyncadd.s32 $0xFFFFFA80  }
0x28: {  	[tilespmem:s25], [sflag:$0x1] =	stream.linear.gather [hbm4b:s24+s8], $0x580, $0x38;
	[tilespmem:$0xAC80] =	vst v63  }
0x29: {  	_ =	swait.ge [sflag:s9], $0x580  }
0x2a: {  	[sflag:s9] =	ssyncset.done $0x0  }
0x2b: {  	s28 =	simm.s32 $0x2680;
	s26 =	sadd.s32 $0x5400, s10;
	[sflag:s9] =	ssyncadd.s32 $0xFFFFFA80  }
0x2c: {  	[tilespmem:s28], [sflag:$0x1] =	stream.linear.gather [hbm4b:s26+s8], $0x580, $0x38;
	[tilespmem:$0xAC80] =	vst v63  }
0x2d: {  	_ =	swait.ge [sflag:s9], $0x580  }
0x2e: {  	[sflag:s9] =	ssyncset.done $0x0  }
0x2f: {  	s30 =	simm.s32 $0x2C00;
	s29 =	sadd.s32 $0x6000, s10;
	[sflag:s9] =	ssyncadd.s32 $0xFFFFFA80  }
0x30: {  	[tilespmem:s30], [sflag:$0x1] =	stream.linear.gather [hbm4b:s29+s8], $0x580, $0x38;
	[tilespmem:$0xAC80] =	vst v63  }
0x31: {  	_ =	swait.ge [sflag:s9], $0x580  }
0x32: {  	[sflag:s9] =	ssyncset.done $0x0  }
0x33: {  	s31 =	simm.s32 $0x3180;
	s10 =	sadd.s32 $0x6C00, s10;
	[sflag:s9] =	ssyncadd.s32 $0xFFFFFA80  }
0x34: {  	[tilespmem:s31], [sflag:$0x1] =	stream.linear.gather [hbm4b:s10+s8], $0x580, $0x38;
	[tilespmem:$0xAC80] =	vst v63  }
0x35: {  	_ =	swait.ge [sflag:s9], $0x580  }
0x36: {  	[sflag:s9] =	ssyncset.done $0x0  }
0x37: {  	s3 =	sadd.s32 $0x7800, s3;
	[sflag:s9] =	ssyncadd.s32 $0xFFFFFA80  }
.LBB2_1:
0x38: {  	p0 =	sne.s32 s8, $0x4BC0  }
.Ltmp0:
0x39: {  	_ = 	snop;
	(pc) =	sbr.rel @p0 .LBB2_1-.Ltmp0, $3  }
0x3a: {  	_ =	sdelay $0x1  }
0x3b: {  	s9 =	sshra.s32 s8, $0x2  }
0x3c: {  	s8 =	sadd.s32 $0x40, s8;
	[tilespmem:s9+$0x9880] =	vst v0  }
0x3d: {  	s10 =	simm.s32 $0x0  }
0x3e: {  	v0 =	vld [tilespmem:s10+$0x0]  }
0x3f: {  	v1 =	vld [tilespmem:s10+$0x580]  }
0x40: {  	v2 =	vld [tilespmem:s10+$0x1600]  }
0x41: {  	v3 =	vld [tilespmem:s10+$0x1B80];
	_ =	sdelay $0x2  }
0x42: {  	s8 =	simm.s32 $0x10;
	v5 =	vld [tilespmem:s10+$0x1080];
	v4 =	vmax.f32 v0, v1  }
0x43: {  	v6 =	vld [tilespmem:s8+$0x580];
	v2 =	vmul.f32 $1.442695020e+00, v2;
	v0 =	vsub.f32 v0, v4  }
0x44: {  	v7 =	vld [tilespmem:s8+$0x1B80];
	v3 =	vmul.f32 $1.442695020e+00, v3;
	v1 =	vsub.f32 v1, v4  }
0x45: {  	v11 =	vld [tilespmem:s10+$0x3180];
	(erf) = vpow2.f32 v2;
	v0 =	vmul.f32 $1.442695020e+00, v0  }
0x46: {  	v4 =	vld [tilespmem:s10+$0x2100];
	(erf) = vpow2.f32 v3;
	v1 =	vmul.f32 $1.442695020e+00, v1  }
0x47: {  	v2 =	vld [tilespmem:s10+$0x2680];
	(erf) = vpow2.f32 v0  }
0x48: {  	v3 =	vld [tilespmem:s10+$0xB00];
	(erf) = vpow2.f32 v1  }
0x49: {  	v0 =	vld [tilespmem:s8+$0x1600]  }
0x4a: {  	v1 =	vld [tilespmem:s8+$0x0];
	_ =	sdelay $0x1  }
0x4b: {  	v8 =	vld [tilespmem:s10+$0x2C00]  }
0x4c: {  	v9 =	vlaneseq.u32;
	v5 =	vmul.f32 v5, v2  }
0x4d: {  	v9 =	vmul.u32 $0xFFFFFFFF, v9;
	v7 =	vmul.f32 $1.442695020e+00, v7;
	v0 =	vmul.f32 $1.442695020e+00, v0;
	v10 =	vpop (erf)  }
0x4e: {  	v3 =	vmul.f32 v3, v4;
	v5 =	vadd.f32 v11, v5;
	v13 =	vmax.f32 v1, v6;
	v12 =	vpop (erf)  }
0x4f: {  	(erf) = vpow2.f32 v0;
	v0 =	vsub.f32 v1, v13;
	v1 =	vmul.f32 v10, v4;
	v14 =	vpop (erf)  }
0x50: {  	v3 =	vadd.f32 v8, v3;
	v6 =	vsub.f32 v6, v13;
	v10 =	vmul.f32 v12, v2;
	v15 =	vpop (erf)  }
0x51: {  	v11 =	vld [tilespmem:s8+$0xB00];
	(erf) = vpow2.f32 v7;
	v1 =	vmul.f32 $5.000000000e-01, v1;
	v7 =	vadd.f32 v15, v14  }
0x52: {  	s9 =	simm.s32 $0x20;
	v4 =	vld [tilespmem:s8+$0x2680];
	v8 =	vmul.f32 $5.000000000e-01, v10;
	v10 =	vmul.f32 $1.442695020e+00, v0;
	v0 =	vadd.s32 $0x57E4, v9  }
0x53: {  	v13 =	vld [tilespmem:s9+$0x1600];
	v9 =	vsub.f32 v3, v1;
	v1 =	vadd.f32 v1, v3;
	(erf) = vrcp.f32 v7  }
0x54: {  	v2 =	vld [tilespmem:s8+$0x2100];
	v6 =	vmul.f32 $1.442695020e+00, v6;
	v12 =	vsub.f32 v5, v8;
	v3 =	vadd.f32 v8, v5  }
0x55: {  	v14 =	vld [tilespmem:s9+$0x0];
	v8 =	vmax.f32 v9, $0.0e+00;
	v1 =	vmax.f32 v1, $0.0e+00;
	(erf) = vpow2.f32 v10  }
0x56: {  	v5 =	vld [tilespmem:s9+$0x580];
	v9 =	vmax.f32 v12, $0.0e+00;
	v8 =	vmin.f32 v8, $7.990000000e+02;
	(erf) = vpow2.f32 v6  }
0x57: {  	v7 =	vld [tilespmem:s8+$0x1080];
	v3 =	vmax.f32 v3, $0.0e+00;
	v12 =	vmin.f32 v1, $7.990000000e+02;
	v9 =	vmin.f32 v9, $7.990000000e+02  }
0x58: {  	v17 =	vmin.f32 v3, $7.990000000e+02;
	[tilespmem:s10+$0x4200] =	vst v8;
	v1 =	vsub.f32 v12, v8;
	v8 =	vmov s5  }
0x59: {  	v18 =	vld [tilespmem:s9+$0x1B80];
	v3 =	vsub.f32 v17, v9;
	[tilespmem:s10+$0x4780] =	vst v9  }
0x5a: {  	v11 =	vmul.f32 v11, v2;
	v6 =	vpop (erf);
	v10 =	vld [tilespmem:s8+$0x2C00]  }
0x5b: {  	vm0 =	vlt.u32 v8, v0;
	v1 =	vadd.f32 $1.000000000e+00, v1;
	v8 =	vpop (erf);
	v3 =	vadd.f32 $1.000000000e+00, v3  }
0x5c: {  	[tilespmem:s10+$0x4D00] =	vst v12;
	v16 =	vmax.f32 v14, v5;
	v12 =	vmul.f32 $1.442695020e+00, v13;
	v7 =	vmul.f32 v7, v4;
	v9 =	vpop (erf)  }
0x5d: {  	[tilespmem:s10+$0x5280] =	vst v17;
	vm1 =	vge.f32 v1, $1.600000000e+01;
	vm2 =	vge.f32 v3, $1.600000000e+01;
	v17 =	vmul.f32 v9, v15  }
0x5e: {  	s12 =	simm.s32 $0xC0;
	s11 =	smov.u32 s5;
	v13 =	vld [tilespmem:s8+$0x3180];
	vm1 =	vmand vm1, vm2;
	v9 =	vsub.f32 v14, v16;
	v14 =	vmul.f32 $1.442695020e+00, v18;
	v15 =	vpop (erf)  }
.LBB2_3:
0x5f: {  	p0 =	sne.s32 s12, $0x15C0;
	v5 =	vsub.f32 v5, v16;
	v10 =	vadd.f32 v10, v11;
	v18 =	vpop (erf);
	v11 =	vnsel vm1, $0xCE6E6B28, v17  }
0x60: {  	v6 =	vmul.f32 v6, v2;
	(erf) = vpow2.f32 v12;
	v11 =	vnsel vm0, $0xFF61B1E6, v11  }
0x61: {  	v8 =	vmul.f32 v8, v4;
	v4 =	vxor.u32 $0x7FFFFFFF, v11;
	vm0 =	vlt.s32 v11, $0x0;
	[tilespmem:s10+$0x3C80] =	vst v11  }
0x62: {  	v12 =	vadd.f32 v18, v15;
	v2 =	vld [tilespmem:s9+$0x2100];
	(erf) = vpow2.f32 v14;
	v11 =	vsel vm0, v4, v11  }
0x63: {  	v6 =	vmul.f32 $5.000000000e-01, v6;
	v8 =	vmul.f32 $5.000000000e-01, v8;
	v4 =	vld [tilespmem:s9+$0x2680];
	v7 =	vadd.f32 v13, v7;
	[tilespmem:s10+$0x3700] =	vst v11  }
0x64: {  	v9 =	vmul.f32 $1.442695020e+00, v9;
	v11 =	vld [tilespmem:s9+$0xB00];
	(erf) = vrcp.f32 v12  }
0x65: {  	s13 =	sshra.s32 s12, $0x2;
	v5 =	vmul.f32 $1.442695020e+00, v5;
	v12 =	vsub.f32 v10, v6;
	v13 =	vld [tilespmem:s9+$0x1080];
	v14 =	vsub.f32 v7, v8  }
0x66: {  	v16 =	vadd.f32 v6, v10;
	v7 =	vadd.f32 v8, v7;
	v15 =	vld [tilespmem:s13+$0x1600];
	(erf) = vpow2.f32 v9  }
0x67: {  	v8 =	vmax.f32 v12, $0.0e+00;
	v9 =	vld [tilespmem:s13+$0x0];
	(erf) = vpow2.f32 v5;
	v10 =	vmax.f32 v14, $0.0e+00  }
0x68: {  	v12 =	vmax.f32 v16, $0.0e+00;
	v8 =	vmin.f32 v8, $7.990000000e+02;
	v7 =	vmax.f32 v7, $0.0e+00;
	v5 =	vld [tilespmem:s13+$0x580]  }
0x69: {  	s11 =	sadd.s32 $0x10, s11;
	v12 =	vmin.f32 v12, $7.990000000e+02;
	v10 =	vmin.f32 v10, $7.990000000e+02;
	v7 =	vmin.f32 v7, $7.990000000e+02;
	v6 =	vpop (erf);
	[tilespmem:s8+$0x4200] =	vst v8  }
0x6a: {  	v19 =	vmov s11;
	v16 =	vsub.f32 v12, v8;
	v17 =	vsub.f32 v7, v10;
	v14 =	vld [tilespmem:s13+$0x1B80];
	[tilespmem:s8+$0x4780] =	vst v10  }
.Ltmp1:
0x6b: {  	vm0 =	vlt.u32 v19, v0;
	v19 =	vmul.f32 v3, v1;
	v10 =	vld [tilespmem:s9+$0x2C00];
	v8 =	vpop (erf);
	[tilespmem:s8+$0x4D00] =	vst v12;
	(pc) =	sbr.rel @p0 .LBB2_3-.Ltmp1, $4  }
0x6c: {  	v11 =	vmul.f32 v11, v2;
	v1 =	vadd.f32 $1.000000000e+00, v16;
	v3 =	vadd.f32 $1.000000000e+00, v17;
	[tilespmem:s8+$0x5280] =	vst v7  }
0x6d: {  	v12 =	vmul.f32 $1.442695020e+00, v15;
	v7 =	vmul.f32 v13, v4;
	v16 =	vmax.f32 v9, v5;
	v13 =	vpop (erf);
	[tilespmem:s10+$0x5800] =	vst v19;
	s10 =	smov.u32 s8;
	s8 =	smov.u32 s9;
	s9 =	smov.u32 s13  }
0x6e: {  	vm1 =	vge.f32 v1, $1.600000000e+01;
	vm2 =	vge.f32 v3, $1.600000000e+01;
	v17 =	vmul.f32 v13, v18  }
0x6f: {  	s12 =	sadd.s32 $0x40, s12;
	v9 =	vsub.f32 v9, v16;
	vm1 =	vmand vm1, vm2;
	v14 =	vmul.f32 $1.442695020e+00, v14;
	v13 =	vld [tilespmem:s8+$0x3180];
	v15 =	vpop (erf)  }
0x70: {  	v5 =	vsub.f32 v5, v16;
	v32 =	vnsel vm1, $0xCE6E6B28, v17;
	v2 =	vmul.f32 v6, v2  }
0x71: {  	v10 =	vadd.f32 v10, v11;
	(erf) = vpow2.f32 v12;
	v4 =	vmul.f32 v8, v4;
	v35 =	vpop (erf)  }
0x72: {  	v33 =	vnsel vm0, $0xFF61B1E6, v32;
	(erf) = vpow2.f32 v14;
	v37 =	vadd.f32 v35, v15  }
0x73: {  	v9 =	vmul.f32 $1.442695020e+00, v9;
	v34 =	vxor.u32 $0x7FFFFFFF, v33;
	v2 =	vmul.f32 $5.000000000e-01, v2  }
0x74: {  	vm0 =	vlt.s32 v33, $0x0;
	v4 =	vmul.f32 $5.000000000e-01, v4;
	v7 =	vadd.f32 v13, v7  }
0x75: {  	[tilespmem:s10+$0x3C80] =	vst v33;
	v5 =	vmul.f32 $1.442695020e+00, v5;
	(erf) = vrcp.f32 v37;
	v39 =	vsub.f32 v10, v2  }
0x76: {  	v36 =	vld [tilespmem:s9+$0x2100];
	v6 =	vsel vm0, v34, v33;
	(erf) = vpow2.f32 v9;
	v40 =	vsub.f32 v7, v4  }
0x77: {  	v38 =	vld [tilespmem:s9+$0x2680];
	[tilespmem:s10+$0x3700] =	vst v6;
	v2 =	vadd.f32 v2, v10;
	(erf) = vpow2.f32 v5;
	v42 =	vmax.f32 v39, $0.0e+00  }
0x78: {  	v41 =	vld [tilespmem:s9+$0xB00];
	v4 =	vadd.f32 v4, v7;
	v9 =	vmin.f32 v42, $7.990000000e+02;
	v6 =	vmax.f32 v40, $0.0e+00  }
0x79: {  	v43 =	vld [tilespmem:s9+$0x1080];
	v2 =	vmax.f32 v2, $0.0e+00;
	[tilespmem:s8+$0x4200] =	vst v9;
	v44 =	vmin.f32 v6, $7.990000000e+02  }
0x7a: {  	v2 =	vmin.f32 v2, $7.990000000e+02;
	v4 =	vmax.f32 v4, $0.0e+00;
	[tilespmem:s8+$0x4780] =	vst v44  }
0x7b: {  	v1 =	vmul.f32 v3, v1;
	v4 =	vmin.f32 v4, $7.990000000e+02;
	v45 =	vld [tilespmem:s9+$0x2C00];
	[tilespmem:s8+$0x4D00] =	vst v2  }
0x7c: {  	v3 =	vpop (erf);
	[tilespmem:s8+$0x5280] =	vst v4  }
0x7d: {  	s30 =	sadd.s32 $0x10, s11;
	[tilespmem:s10+$0x5800] =	vst v1;
	v1 =	vsub.f32 v2, v9;
	v2 =	vpop (erf)  }
0x7e: {  	v47 =	vmov s30;
	v4 =	vsub.f32 v4, v44;
	v46 =	vld [tilespmem:s9+$0x3180];
	v48 =	vpop (erf)  }
0x7f: {  	vm10 =	vlt.u32 v47, v0;
	v49 =	vmul.f32 v41, v36;
	v3 =	vmul.f32 v3, v36;
	v50 =	vpop (erf)  }
0x80: {  	v13 =	vmul.f32 v43, v38;
	v4 =	vadd.f32 $1.000000000e+00, v4;
	v2 =	vmul.f32 v2, v38;
	v51 =	vpop (erf)  }
0x81: {  	v3 =	vmul.f32 $5.000000000e-01, v3;
	v1 =	vadd.f32 $1.000000000e+00, v1;
	v53 =	vadd.f32 v51, v50  }
0x82: {  	v54 =	vmul.f32 v48, v35;
	v2 =	vmul.f32 $5.000000000e-01, v2;
	v52 =	vadd.f32 v45, v49  }
0x83: {  	vm2 =	vge.f32 v4, $1.600000000e+01;
	v7 =	vadd.f32 v46, v13;
	(erf) = vrcp.f32 v53  }
0x84: {  	vm11 =	vge.f32 v1, $1.600000000e+01;
	v55 =	vsub.f32 v52, v3;
	v3 =	vadd.f32 v3, v52  }
0x85: {  	vm1 =	vmand vm11, vm2;
	v56 =	vsub.f32 v7, v2;
	v2 =	vadd.f32 v2, v7  }
0x86: {  	v57 =	vnsel vm1, $0xCE6E6B28, v54;
	v6 =	vmax.f32 v55, $0.0e+00;
	v3 =	vmax.f32 v3, $0.0e+00  }
0x87: {  	v6 =	vmin.f32 v6, $7.990000000e+02;
	v58 =	vmax.f32 v56, $0.0e+00;
	v2 =	vmax.f32 v2, $0.0e+00  }
0x88: {  	v3 =	vmin.f32 v3, $7.990000000e+02;
	v7 =	vmin.f32 v58, $7.990000000e+02;
	v2 =	vmin.f32 v2, $7.990000000e+02  }
0x89: {  	v5 =	vnsel vm10, $0xFF61B1E6, v57;
	v59 =	vsub.f32 v3, v6;
	v60 =	vsub.f32 v2, v7  }
0x8a: {  	v61 =	vxor.u32 $0x7FFFFFFF, v5;
	vm0 =	vlt.s32 v5, $0x0  }
0x8b: {  	[tilespmem:s8+$0x3C80] =	vst v5;
	v5 =	vsel vm0, v61, v5;
	v8 =	vadd.f32 $1.000000000e+00, v59;
	v9 =	vadd.f32 $1.000000000e+00, v60  }
0x8c: {  	[tilespmem:s8+$0x3700] =	vst v5;
	v62 =	vpop (erf)  }
0x8d: {  	s10 =	sadd.s32 $0x10, s30;
	[tilespmem:s9+$0x4200] =	vst v6;
	vm12 =	vge.f32 v8, $1.600000000e+01;
	v5 =	vmul.f32 v62, v51;
	vm13 =	vge.f32 v9, $1.600000000e+01  }
0x8e: {  	v63 =	vmov s10;
	[tilespmem:s9+$0x4D00] =	vst v3;
	vm0 =	vmand vm12, vm13  }
0x8f: {  	vm14 =	vlt.u32 v63, v0;
	v0 =	vmul.f32 v4, v1;
	[tilespmem:s9+$0x4780] =	vst v7;
	v1 =	vnsel vm0, $0xCE6E6B28, v5  }
0x90: {  	[tilespmem:s9+$0x5280] =	vst v2;
	v1 =	vnsel vm14, $0xFF61B1E6, v1  }
0x91: {  	[tilespmem:s8+$0x5800] =	vst v0;
	v0 =	vxor.u32 $0x7FFFFFFF, v1;
	vm15 =	vlt.s32 v1, $0x0  }
0x92: {  	[tilespmem:s9+$0x3C80] =	vst v1;
	v0 =	vsel vm15, v0, v1;
	v1 =	vmul.f32 v9, v8  }
0x93: {  	[tilespmem:s9+$0x3700] =	vst v0  }
0x94: {  	[tilespmem:s9+$0x5800] =	vst v1  }
0x95: {  	s31 =	simm.s32 $0x0;
	[bflag:$0x0] =	sbarrier.arrive $0xFFFF  }
0x96: {  	v2 =	vld [tilespmem:s31+$0x3700]  }
0x97: {  	s8 =	simm.s32 $0x40;
	v0 =	vimm.s32 $0x0;
	v1 =	vimm.s32 $0x0  }
.LBB2_5:
0x98: {  	p0 =	sne.s32 s8, $0x15C0  }
.Ltmp2:
0x99: {  	_ = 	snop;
	(pc) =	sbr.rel @p0 .LBB2_5-.Ltmp2, $4  }
0x9a: {  	_ = 	snop  }
0x9b: {  	s9 =	sshra.s32 s8, $0x2;
	s8 =	sadd.s32 $0x40, s8;
	vm0 =	vgt.s32 v2, $0x0  }
0x9c: {  	v2 =	vld [tilespmem:s9+$0x3700];
	v3 =	vsel vm0, $0x1, v0  }
0x9d: {  	v1 =	vadd.s32 v3, v1  }
0x9e: {  	_ =	sdelay $0x2  }
0x9f: {  	vm0 =	vgt.s32 v2, $0x0  }
0xa0: {  	v0 =	vsel vm0, $0x1, v0  }
0xa1: {  	v0 =	vadd.s32 v0, v1  }
0xa2: {  	(xrf0) =	vadd.scan.msk.s32 $0xffff, v0;
	_ =	sdelay $0x5  }
0xa3: {  	v0, _, _ =	vpop (xrf0)  }
0xa4: {  	vm1 =	vcmask $0x704;
	v1 =	vbroadcast v0, $0xF;
	v0 =	vimm.s32 $0x0  }
0xa5: {  	vm0 =	vmmov $0x1;
	v2 =	vsel vm1, $0x1, v0  }
0xa6: {  	v1 =	vsel vm0, v1, v2  }
0xa7: {  	s8 =	simm.s32 $0x8800;
	[tilespmem:$0x8800] =	vst v1  }
0xa8: {  	[spmem:s7] =	stream.linear.scatter [tilespmem:s8], [sflag:$0x1], $0x10, $0x38;
	[tilespmem:$0xAC80] =	vst v63  }
0xa9: {  	s8 =	simm.s32 $0x1  }
0xaa: {  	v1 =	vlaneseq.u32;
	_ =	swait.ge [sflag:s8], $0x10  }
0xab: {  	v1 =	vmul.u32 $0x80, v1;
	[sflag:s8] =	ssyncset.done $0x0  }
0xac: {  	[sflag:s8] =	ssyncadd.s32 $0xFFFFFFF0  }
0xad: {  	s9 =	simm.s32 $0x9080;
	v1 =	vor.u32 $0x1, v1;
	[bflag:$0x0] =	sbarrier.arrive $0xFFFF  }
.LBB2_7:
0xae: {  	[tilespmem:s9], [sflag:$0x1] =	stream.linear.gather [spmem:s6], $0x800, $0x38;
	[tilespmem:$0xAC80] =	vst v63  }
0xaf: {  	_ =	swait.ge [sflag:s8], $0x800  }
0xb0: {  	[sflag:s8] =	ssyncset.done $0x0  }
0xb1: {  	[sflag:s8] =	ssyncadd.s32 $0xFFFFF800  }
0xb2: {  	v2 =	vld.idx.msk [tilespmem:v1+s9+$0x0], $0xffff;
	_ =	sdelay $0x4  }
0xb3: {  	vm2 =	veq.s32 v2, $0x1  }
0xb4: {  	v2 =	vsel vm2, $0x1, v0  }
0xb5: {  	(xrf0) =	vadd.scan.msk.s32 $0xffff, v2;
	_ =	sdelay $0x5  }
0xb6: {  	v2, _, _ =	vpop (xrf0)  }
0xb7: {  	(v2sf) =	vpush v2, $0xF;
	_ =	sdelay $0xe  }
0xb8: {  	s10 =	spop (v2sf)  }
0xb9: {  	p0 =	sne.s32 s10, $0x10  }
.Ltmp3:
0xba: {  	_ = 	snop;
	(pc) =	sbr.rel @p0 .LBB2_7-.Ltmp3, $1  }
0xbb: {  	_ =	sdelay $0x3  }
0xbc: {  	v0 =	vlaneseq.u32  }
0xbd: {  	v0 =	vmul.u32 $0x80, v0;
	_ =	sdelay $0x3  }
0xbe: {  	[bflag:$0x0] =	sbarrier.arrive $0xFFFF  }
0xbf: {  	s9 =	simm.s32 $0x9080;
	s10 =	simm.s32 $0x0;
	s11 =	simm.s32 $0x1  }
0xc0: {  	s13 =	simm.s32 $0x3F800000;
	v2 =	vimm.s32 $0x0;
	vm2 =	vcmask $0x3F04;
	s12 =	simm.s32 $0x8800;
	s8 =	simm.s32 $0x1;
	v3 =	vor.u32 $0x1, v0;
	v1 =	vld.idx.msk [tilespmem:v0+s9+$0x0], $0xffff  }
.LBB2_9:
0xc1: {  	s14 =	ssub.s32 s13, s8  }
0xc2: {  	s14 =	sadd.s32 $0x1, s14  }
0xc3: {  	s16 =	simm.s32 $0x0;
	s14 =	sshra.s32 s14, $0x1  }
0xc4: {  	v6 =	vld [tilespmem:s16+$0x3700];
	s14 =	sadd.s32 s8, s14  }
0xc5: {  	s15 =	simm.s32 $0x40;
	v5 =	vimm.s32 $0x0;
	v4 =	vmov s14  }
.LBB2_10:
0xc6: {  	p0 =	sne.s32 s15, $0x15C0  }
.Ltmp4:
0xc7: {  	_ = 	snop;
	(pc) =	sbr.rel @p0 .LBB2_10-.Ltmp4, $4  }
0xc8: {  	_ = 	snop  }
0xc9: {  	s16 =	sshra.s32 s15, $0x2;
	s15 =	sadd.s32 $0x40, s15;
	vm3 =	vge.s32 v6, v4  }
0xca: {  	v6 =	vld [tilespmem:s16+$0x3700];
	v7 =	vsel vm3, $0x1, v2  }
0xcb: {  	v5 =	vadd.s32 v7, v5  }
0xcc: {  	_ =	sdelay $0x2  }
0xcd: {  	vm3 =	vge.s32 v6, v4  }
0xce: {  	v4 =	vsel vm3, $0x1, v2  }
0xcf: {  	v4 =	vadd.s32 v4, v5  }
0xd0: {  	(xrf0) =	vadd.scan.msk.s32 $0xffff, v4;
	_ =	sdelay $0x5  }
0xd1: {  	s15 =	sadd.s32 $0x2, s10;
	v5, _, _ =	vpop (xrf0)  }
0xd2: {  	v4 =	vmov s15;
	v5 =	vbroadcast v5, $0xF  }
0xd3: {  	v6 =	vnsel vm1, $0x0, v4  }
0xd4: {  	v5 =	vsel vm2, v6, v5  }
0xd5: {  	[tilespmem:$0x8800] =	vst v5  }
0xd6: {  	[spmem:s7] =	stream.linear.scatter [tilespmem:s12], [sflag:$0x1], $0x10, $0x38;
	[tilespmem:$0xAC80] =	vst v63  }
0xd7: {  	_ =	swait.ge [sflag:s11], $0x10  }
0xd8: {  	[sflag:s11] =	ssyncset.done $0x0  }
0xd9: {  	[sflag:s11] =	ssyncadd.s32 $0xFFFFFFF0  }
0xda: {  	[bflag:$0x0] =	sbarrier.arrive $0xFFFF  }
.LBB2_12:
0xdb: {  	[tilespmem:s9], [sflag:$0x1] =	stream.linear.gather [spmem:s6], $0x800, $0x38;
	[tilespmem:$0xAC80] =	vst v63  }
0xdc: {  	_ =	swait.ge [sflag:s11], $0x800  }
0xdd: {  	[sflag:s11] =	ssyncset.done $0x0  }
0xde: {  	[sflag:s11] =	ssyncadd.s32 $0xFFFFF800  }
0xdf: {  	v5 =	vld.idx.msk [tilespmem:v3+s9+$0x0], $0xffff;
	_ =	sdelay $0x4  }
0xe0: {  	vm3 =	veq.s32 v5, v4  }
0xe1: {  	v5 =	vsel vm3, $0x1, v2  }
0xe2: {  	(xrf0) =	vadd.scan.msk.s32 $0xffff, v5;
	_ =	sdelay $0x5  }
0xe3: {  	v5, _, _ =	vpop (xrf0)  }
0xe4: {  	(v2sf) =	vpush v5, $0xF;
	_ =	sdelay $0xe  }
0xe5: {  	s15 =	spop (v2sf)  }
0xe6: {  	p0 =	sne.s32 s15, $0x10  }
.Ltmp5:
0xe7: {  	_ = 	snop;
	(pc) =	sbr.rel @p0 .LBB2_12-.Ltmp5, $1  }
0xe8: {  	_ =	sdelay $0x3  }
0xe9: {  	_ =	sdelay $0x2  }
0xea: {  	[bflag:$0x0] =	sbarrier.arrive $0xFFFF  }
0xeb: {  	v4 =	vld.idx.msk [tilespmem:v0+s9+$0x0], $0xffff;
	_ =	sdelay $0x4  }
0xec: {  	(xrf0) =	vadd.scan.msk.s32 $0xffff, v4;
	_ =	sdelay $0x5  }
0xed: {  	v4, _, _ =	vpop (xrf0)  }
0xee: {  	(v2sf) =	vpush v4, $0xF;
	_ =	sdelay $0xb  }
0xef: {  	s10 =	sadd.s32 $0x1, s10  }
0xf0: {  	p1 =	sne.s32 s10, $0x1E  }
.Ltmp6:
0xf1: {  	_ = 	snop;
	(pc) =	sbr.rel @p1 .LBB2_9-.Ltmp6, $4  }
0xf2: {  	s15 =	spop (v2sf)  }
0xf3: {  	p0 =	sgt.s32 s15, $0x176F;
	s15 =	sadd.s32 $0xFFFFFFFF, s14  }
0xf4: {  	s15 =	smov.u32 @p0 s13  }
0xf5: {  	s8 =	smov.u32 @p0 s14;
	s13 =	smov.u32 s15  }
0xf6: {  	(xrf0) =	vadd.scan.msk.s32 $0xffff, v1;
	_ =	sdelay $0x5  }
0xf7: {  	v0, _, _ =	vpop (xrf0)  }
0xf8: {  	(v2sf) =	vpush v0, $0xF;
	_ =	sdelay $0xe  }
0xf9: {  	s9 =	spop (v2sf)  }
0xfa: {  	s11 =	simm.s32 $0x0;
	p0 =	sgt.s32 s9, $0x176F  }
0xfb: {  	v3 =	vld [tilespmem:s11+$0x3700];
	s8 =	simm.s32 @!p0 $0xB19194D7  }
0xfc: {  	v1 =	vimm.s32 $0x0;
	s10 =	simm.s32 $0x40;
	v2 =	vimm.s32 $0x0;
	v0 =	vmov s8  }
.LBB2_15:
0xfd: {  	p0 =	sne.s32 s10, $0x15C0  }
.Ltmp7:
0xfe: {  	_ = 	snop;
	(pc) =	sbr.rel @p0 .LBB2_15-.Ltmp7, $4  }
0xff: {  	_ = 	snop  }
0x100: {  	s11 =	sshra.s32 s10, $0x2;
	s10 =	sadd.s32 $0x40, s10;
	vm3 =	vgt.s32 v3, v0  }
0x101: {  	v3 =	vld [tilespmem:s11+$0x3700];
	v4 =	vsel vm3, $0x1, v1  }
0x102: {  	v2 =	vadd.s32 v4, v2  }
0x103: {  	_ =	sdelay $0x2  }
0x104: {  	vm3 =	vgt.s32 v3, v0  }
0x105: {  	v1 =	vsel vm3, $0x1, v1  }
0x106: {  	v1 =	vadd.s32 v1, v2  }
0x107: {  	(xrf0) =	vadd.scan.msk.s32 $0xffff, v1;
	_ =	sdelay $0x5  }
0x108: {  	v1, _, _ =	vpop (xrf0)  }
0x109: {  	v2 =	vbroadcast v1, $0xF;
	v1 =	vimm.s32 $0x0  }
0x10a: {  	v3 =	vsel vm1, $0x21, v1  }
0x10b: {  	v2 =	vsel vm0, v2, v3  }
0x10c: {  	s10 =	simm.s32 $0x8800;
	[tilespmem:$0x8800] =	vst v2  }
0x10d: {  	[spmem:s7] =	stream.linear.scatter [tilespmem:s10], [sflag:$0x1], $0x10, $0x38;
	[tilespmem:$0xAC80] =	vst v63  }
0x10e: {  	s10 =	simm.s32 $0x1  }
0x10f: {  	v2 =	vlaneseq.u32;
	_ =	swait.ge [sflag:s10], $0x10  }
0x110: {  	v2 =	vmul.u32 $0x80, v2;
	[sflag:s10] =	ssyncset.done $0x0  }
0x111: {  	[sflag:s10] =	ssyncadd.s32 $0xFFFFFFF0  }
0x112: {  	s11 =	simm.s32 $0x9080;
	v2 =	vor.u32 $0x1, v2;
	[bflag:$0x0] =	sbarrier.arrive $0xFFFF  }
.LBB2_17:
0x113: {  	[tilespmem:s11], [sflag:$0x1] =	stream.linear.gather [spmem:s6], $0x800, $0x38;
	[tilespmem:$0xAC80] =	vst v63  }
0x114: {  	_ =	swait.ge [sflag:s10], $0x800  }
0x115: {  	[sflag:s10] =	ssyncset.done $0x0  }
0x116: {  	[sflag:s10] =	ssyncadd.s32 $0xFFFFF800  }
0x117: {  	v3 =	vld.idx.msk [tilespmem:v2+s11+$0x0], $0xffff;
	_ =	sdelay $0x4  }
0x118: {  	vm3 =	veq.s32 v3, $0x21  }
0x119: {  	v3 =	vsel vm3, $0x1, v1  }
0x11a: {  	(xrf0) =	vadd.scan.msk.s32 $0xffff, v3;
	_ =	sdelay $0x5  }
0x11b: {  	v3, _, _ =	vpop (xrf0)  }
0x11c: {  	(v2sf) =	vpush v3, $0xF;
	_ =	sdelay $0xe  }
0x11d: {  	s12 =	spop (v2sf)  }
0x11e: {  	p0 =	sne.s32 s12, $0x10  }
.Ltmp8:
0x11f: {  	_ = 	snop;
	(pc) =	sbr.rel @p0 .LBB2_17-.Ltmp8, $1  }
0x120: {  	_ =	sdelay $0x3  }
0x121: {  	v1 =	vlaneseq.u32  }
0x122: {  	v2 =	vmul.u32 $0x80, v1;
	_ =	sdelay $0x4  }
0x123: {  	[bflag:$0x0] =	sbarrier.arrive $0xFFFF;
	s11 =	simm.s32 $0x9080  }
0x124: {  	v3 =	vld.idx.msk [tilespmem:v2+s11+$0x0], $0xffff;
	_ =	sdelay $0x4  }
0x125: {  	(xrf0) =	vadd.scan.msk.s32 $0xffff, v3;
	_ =	sdelay $0x5  }
0x126: {  	v3, _, _ =	vpop (xrf0)  }
0x127: {  	(v2sf) =	vpush v3, $0xF;
	_ =	sdelay $0xd  }
0x128: {  	s14 =	simm.s32 $0x0;
	s12 =	simm.s32 $0x57FF;
	s13 =	simm.s32 $0x8800  }
0x129: {  	s15 =	simm.s32 $0x1;
	s16 =	simm.s32 $0x0;
	v4 =	vor.u32 $0x1, v2;
	v3 =	vimm.s32 $0x0;
	s10 =	spop (v2sf)  }
.LBB2_19:
0x12a: {  	s19 =	simm.s32 $0x0  }
0x12b: {  	v7 =	vld [tilespmem:s19+$0x3700];
	_ =	sdelay $0x1  }
0x12c: {  	s17 =	sadd.s32 s14, s12  }
0x12d: {  	s17 =	sshra.s32 s17, $0x1  }
0x12e: {  	s18 =	simm.s32 $0x40;
	v8 =	vor.u32 s5, v1;
	v6 =	vimm.s32 $0x0;
	s19 =	smov.u32 s5;
	v5 =	vmov s17  }
.LBB2_20:
0x12f: {  	s20 =	sshra.s32 s18, $0x2;
	p0 =	sne.s32 s18, $0x15C0;
	s18 =	sadd.s32 $0x40, s18;
	vm3 =	veq.s32 v7, v0;
	vm4 =	vle.s32 v8, v5  }
.Ltmp9:
0x130: {  	v7 =	vld [tilespmem:s20+$0x3700];
	vm3 =	vmand vm4, vm3;
	(pc) =	sbr.rel @p0 .LBB2_20-.Ltmp9, $4  }
0x131: {  	v8 =	vsel vm3, $0x1, v3  }
0x132: {  	v6 =	vadd.s32 v8, v6  }
0x133: {  	s19 =	sadd.s32 $0x10, s19  }
0x134: {  	v8 =	vor.u32 s19, v1  }
0x135: {  	vm3 =	veq.s32 v7, v0;
	vm4 =	vle.s32 v8, v5  }
0x136: {  	vm3 =	vmand vm4, vm3  }
0x137: {  	v5 =	vsel vm3, $0x1, v3  }
0x138: {  	v5 =	vadd.s32 v5, v6  }
0x139: {  	(xrf0) =	vadd.scan.msk.s32 $0xffff, v5;
	_ =	sdelay $0x5  }
0x13a: {  	s18 =	sadd.s32 $0x22, s16;
	v6, _, _ =	vpop (xrf0)  }
0x13b: {  	v5 =	vmov s18;
	v6 =	vbroadcast v6, $0xF  }
0x13c: {  	v7 =	vnsel vm1, $0x0, v5  }
0x13d: {  	v6 =	vsel vm2, v7, v6  }
0x13e: {  	[tilespmem:$0x8800] =	vst v6  }
0x13f: {  	[spmem:s7] =	stream.linear.scatter [tilespmem:s13], [sflag:$0x1], $0x10, $0x38;
	[tilespmem:$0xAC80] =	vst v63  }
0x140: {  	_ =	swait.ge [sflag:s15], $0x10  }
0x141: {  	[sflag:s15] =	ssyncset.done $0x0  }
0x142: {  	[sflag:s15] =	ssyncadd.s32 $0xFFFFFFF0  }
0x143: {  	[bflag:$0x0] =	sbarrier.arrive $0xFFFF  }
.LBB2_22:
0x144: {  	[tilespmem:s11], [sflag:$0x1] =	stream.linear.gather [spmem:s6], $0x800, $0x38;
	[tilespmem:$0xAC80] =	vst v63  }
0x145: {  	_ =	swait.ge [sflag:s15], $0x800  }
0x146: {  	[sflag:s15] =	ssyncset.done $0x0  }
0x147: {  	[sflag:s15] =	ssyncadd.s32 $0xFFFFF800  }
0x148: {  	v6 =	vld.idx.msk [tilespmem:v4+s11+$0x0], $0xffff;
	_ =	sdelay $0x4  }
0x149: {  	vm3 =	veq.s32 v6, v5  }
0x14a: {  	v6 =	vsel vm3, $0x1, v3  }
0x14b: {  	(xrf0) =	vadd.scan.msk.s32 $0xffff, v6;
	_ =	sdelay $0x5  }
0x14c: {  	v6, _, _ =	vpop (xrf0)  }
0x14d: {  	(v2sf) =	vpush v6, $0xF;
	_ =	sdelay $0xe  }
0x14e: {  	s18 =	spop (v2sf)  }
0x14f: {  	p0 =	sne.s32 s18, $0x10  }
.Ltmp10:
0x150: {  	_ = 	snop;
	(pc) =	sbr.rel @p0 .LBB2_22-.Ltmp10, $1  }
0x151: {  	_ =	sdelay $0x3  }
0x152: {  	_ =	sdelay $0x2  }
0x153: {  	[bflag:$0x0] =	sbarrier.arrive $0xFFFF  }
0x154: {  	v5 =	vld.idx.msk [tilespmem:v2+s11+$0x0], $0xffff;
	_ =	sdelay $0x4  }
0x155: {  	(xrf0) =	vadd.scan.msk.s32 $0xffff, v5;
	_ =	sdelay $0x5  }
0x156: {  	v5, _, _ =	vpop (xrf0)  }
0x157: {  	(v2sf) =	vpush v5, $0xF;
	_ =	sdelay $0xc  }
0x158: {  	s16 =	sadd.s32 $0x1, s16  }
0x159: {  	p1 =	sne.s32 s16, $0xF  }
.Ltmp11:
0x15a: {  	s18 =	spop (v2sf);
	(pc) =	sbr.rel @p1 .LBB2_19-.Ltmp11, $4  }
0x15b: {  	s18 =	sadd.s32 s10, s18  }
0x15c: {  	p0 =	sgt.s32 s18, $0x176F;
	s18 =	sadd.s32 $0x1, s17  }
0x15d: {  	s18 =	smov.u32 @p0 s14  }
0x15e: {  	s12 =	smov.u32 @p0 s17;
	s14 =	smov.u32 s18  }
0x15f: {  	p0 =	sne.s32 s4, $0x0  }
0x160: {  	s6 =	scvt.s32.f32 @!p0 s9  }
0x161: {  	s7 =	sshra.s32 @!p0 s8, $0xC  }
0x162: {  	s8 =	sand.u32 @!p0 $0xFFF, s8;
	vm1 =	vcmask @!p0 $0x300;
	s7 =	scvt.s32.f32 @!p0 s7;
	v1 =	vmov @!p0 s6  }
0x163: {  	s6 =	scvt.s32.f32 @!p0 s8;
	v1 =	vnsel @!p0 vm1, $0x0, v1;
	vm1 =	vcmask @!p0 $0x704  }
0x164: {  	s8 =	scvt.s32.f32 @!p0 s10;
	v1 =	vsel @!p0 vm1, s7, v1;
	vm1 =	vcmask @!p0 $0xB08  }
0x165: {  	s7 =	scvt.s32.f32 @!p0 s18;
	v1 =	vsel @!p0 vm1, s6, v1;
	vm1 =	vcmask @!p0 $0xF0C  }
0x166: {  	v1 =	vsel @!p0 vm1, s8, v1;
	vm1 =	vcmask @!p0 $0x1310  }
0x167: {  	v1 =	vsel @!p0 vm1, s7, v1  }
0x168: {  	s29 =	simm.s32 $0x0;
	[tilespmem:$0xAB40] =	vst @!p0 v1  }
0x169: {  	v3 =	vld [tilespmem:s29+$0x3700];
	_ =	sdelay $0x2  }
0x16a: {  	v2 =	vlaneseq.u32;
	v4 =	vld [tilespmem:s29+$0x3C80]  }
0x16b: {  	v5 =	vor.u32 s5, v2;
	v1 =	vmov s18  }
0x16c: {  	vm2 =	vle.s32 v5, v1;
	vm1 =	veq.s32 v3, v0  }
0x16d: {  	vm3 =	vgt.s32 v3, v0;
	vm1 =	vmand vm2, vm1  }
0x16e: {  	s30 =	simm.s32 $0x0;
	vm1 =	vmor vm3, vm1  }
0x16f: {  	[tilespmem:s30+$0x5D80] =	vst.msk vm1, v4  }
0x170: {  	v3 =	vld [tilespmem:s29+$0x4200];
	_ =	sdelay $0x2  }
0x171: {  	v4 =	vmpcnt.ones.xlane vm1;
	_ =	sdelay $0x1  }
0x172: {  	v4 =	vxor.u32 $0x80000000, v4;
	[tilespmem:s30+$0x6380] =	vst.msk vm1, v3  }
0x173: {  	(xrf0) =	vmax.scan.msk.u32 $0xffff, v4;
	v3 =	vld [tilespmem:s29+$0x4780];
	_ =	sdelay $0x4  }
0x174: {  	[tilespmem:s30+$0x6980] =	vst.msk vm1, v3  }
0x175: {  	v3, _, _ =	vpop (xrf0);
	v4 =	vld [tilespmem:s29+$0x4D00]  }
0x176: {  	(v2sf) =	vpush v3, $0xF;
	_ =	sdelay $0x3  }
0x177: {  	[tilespmem:s30+$0x6F80] =	vst.msk vm1, v4  }
0x178: {  	v3 =	vld [tilespmem:s29+$0x5280];
	_ =	sdelay $0x4  }
0x179: {  	[tilespmem:s30+$0x7580] =	vst.msk vm1, v3  }
0x17a: {  	v3 =	vld [tilespmem:s29+$0x5800];
	_ =	sdelay $0x3  }
0x17b: {  	s31 =	spop (v2sf)  }
0x17c: {  	s6 =	sadd.s32 $0x0, s31;
	[tilespmem:s30+$0x7B80] =	vst.msk vm1, v3  }
0x17d: {  	s7 =	simm.s32 $0x10;
	s6 =	sadd.s32 $0x80000000, s6;
	[tilespmem:s30+$0x8180] =	vst.msk vm1, v5  }
0x17e: {  	s8 =	simm.s32 $0x80;
	s12 =	smov.u32 s6;
	v3 =	vld [tilespmem:s7+$0x3700]  }
.LBB2_25:
0x17f: {  	p1 =	sne.s32 s8, $0x15C0;
	v4 =	vld [tilespmem:s7+$0x3C80];
	_ =	sdelay $0x1  }
0x180: {  	s5 =	sadd.s32 $0x10, s5  }
0x181: {  	v5 =	vor.u32 s5, v2  }
0x182: {  	vm2 =	vle.s32 v5, v1;
	vm1 =	veq.s32 v3, v0  }
0x183: {  	vm3 =	vgt.s32 v3, v0;
	vm1 =	vmand vm2, vm1  }
0x184: {  	vm1 =	vmor vm3, vm1  }
0x185: {  	[tilespmem:s6+$0x5D80] =	vst.msk vm1, v4;
	v3 =	vmpcnt.ones.xlane vm1  }
0x186: {  	v4 =	vld [tilespmem:s7+$0x4200]  }
0x187: {  	v3 =	vxor.u32 $0x80000000, v3  }
0x188: {  	(xrf0) =	vmax.scan.msk.u32 $0xffff, v3;
	_ =	sdelay $0x2  }
0x189: {  	[tilespmem:s6+$0x6380] =	vst.msk vm1, v4  }
0x18a: {  	v3 =	vld [tilespmem:s7+$0x4780];
	_ =	sdelay $0x1  }
0x18b: {  	v4, _, _ =	vpop (xrf0)  }
0x18c: {  	(v2sf) =	vpush v4, $0xF;
	_ =	sdelay $0x1  }
0x18d: {  	[tilespmem:s6+$0x6980] =	vst.msk vm1, v3  }
0x18e: {  	v3 =	vld [tilespmem:s7+$0x4D00];
	_ =	sdelay $0x4  }
0x18f: {  	[tilespmem:s6+$0x6F80] =	vst.msk vm1, v3  }
0x190: {  	v3 =	vld [tilespmem:s7+$0x5280];
	_ =	sdelay $0x4  }
0x191: {  	[tilespmem:s6+$0x7580] =	vst.msk vm1, v3  }
0x192: {  	v3 =	vld [tilespmem:s7+$0x5800];
	s7 =	spop (v2sf)  }
0x193: {  	s6 =	sadd.s32 s7, s6  }
0x194: {  	s6 =	sadd.s32 $0x80000000, s6  }
.Ltmp12:
0x195: {  	(pc) =	sbr.rel @p1 .LBB2_25-.Ltmp12, $4  }
0x196: {  	_ = 	snop  }
0x197: {  	[tilespmem:s12+$0x7B80] =	vst.msk vm1, v3  }
0x198: {  	s7 =	sshra.s32 s8, $0x2;
	[tilespmem:s12+$0x8180] =	vst.msk vm1, v5;
	s12 =	smov.u32 s6  }
0x199: {  	s8 =	sadd.s32 $0x40, s8;
	v3 =	vld [tilespmem:s7+$0x3700]  }
0x19a: {  	_ =	sdelay $0x1  }
0x19b: {  	s5 =	sadd.s32 $0x10, s5;
	v4 =	vld [tilespmem:s7+$0x3C80]  }
0x19c: {  	v5 =	vor.u32 s5, v2  }
0x19d: {  	vm2 =	vle.s32 v5, v1;
	vm1 =	veq.s32 v3, v0  }
0x19e: {  	vm3 =	vgt.s32 v3, v0;
	vm1 =	vmand vm2, vm1  }
0x19f: {  	vm7 =	vmor vm3, vm1  }
0x1a0: {  	[tilespmem:s6+$0x5D80] =	vst.msk vm7, v4  }
0x1a1: {  	v1 =	vld [tilespmem:s7+$0x4200]  }
0x1a2: {  	v0 =	vmpcnt.ones.xlane vm7;
	_ =	sdelay $0x1  }
0x1a3: {  	v0 =	vxor.u32 $0x80000000, v0  }
0x1a4: {  	(xrf0) =	vmax.scan.msk.u32 $0xffff, v0  }
0x1a5: {  	[tilespmem:s6+$0x6380] =	vst.msk vm7, v1  }
0x1a6: {  	v0 =	vld [tilespmem:s7+$0x4780];
	_ =	sdelay $0x3  }
0x1a7: {  	v1, _, _ =	vpop (xrf0)  }
0x1a8: {  	(v2sf) =	vpush v1, $0xF;
	[tilespmem:s6+$0x6980] =	vst.msk vm7, v0  }
0x1a9: {  	v0 =	vld [tilespmem:s7+$0x4D00];
	_ =	sdelay $0x4  }
0x1aa: {  	[tilespmem:s6+$0x6F80] =	vst.msk vm7, v0  }
0x1ab: {  	v0 =	vld [tilespmem:s7+$0x5280];
	_ =	sdelay $0x4  }
0x1ac: {  	[tilespmem:s6+$0x7580] =	vst.msk vm7, v0  }
0x1ad: {  	v4 =	vld [tilespmem:s7+$0x5800]  }
0x1ae: {  	s10 =	simm.s32 $0x0  }
0x1af: {  	vm4 =	vcmask $0x1320;
	s8 =	simm.s32 $0x6F80;
	s9 =	simm.s32 $0x7580;
	vm5 =	vcmask $0x1720;
	s31 =	spop (v2sf)  }
.Ltmp13:
0x1b0: {  	s11 =	simm.s32 $0x7B80;
	vm6 =	vcmask $0x1B20;
	vm8 =	vcmask $0x714;
	v1 =	vlaneseq.u32;
	s5 =	sadd.s32 s31, s6;
	(pc) =	sbr.rel .LBB2_27-.Ltmp13, $4  }
0x1b1: {  	s13 =	simm.s32 $0x8780;
	s14 =	simm.s32 $0x1;
	vm9 =	vcmask $0xB14;
	vm10 =	vcmask $0xF14;
	v3 =	vmul.u32 $0x80, v1;
	s15 =	sadd.s32 $0x80000000, s5  }
0x1b2: {  	p2 =	seq.s32 s4, $0x0;
	s4 =	simm.s32 $0x9880;
	vm2 =	vcmask $0xB20;
	vm1 =	vcmask $0x720;
	vm3 =	vcmask $0xF20;
	s5 =	sadd.s32 $0xF, s15;
	[tilespmem:s12+$0x7B80] =	vst.msk vm7, v4  }
0x1b3: {  	v2 =	vor.u32 $0x80000000, v1;
	v6 =	vor.u32 $0x1, v3;
	v0 =	vimm.f32 $-3.000000010e+38;
	s7 =	simm.s32 $0x6980;
	s6 =	simm.s32 $0x6380;
	s5 =	sshra.s32 s5, $0x4;
	[tilespmem:s12+$0x8180] =	vst.msk vm7, v5  }
0x1b4: {  	p1 =	slt.s32 s5, $0x1;
	v4 =	vor.u32 $0x7, v3;
	s12 =	simm.s32 $0x8180;
	v5 =	vimm.s32 $0x0;
	vm7 =	vcmask $0x314;
	[tilespmem:s15+$0x5D80] =	vst v0;
	s15 =	simm.s32 $0x8880  }
.LBB2_47:
0x1b5: {  	p3 =	seq.s32 s16, $0x12C  }
.Ltmp14:
0x1b6: {  	_ = 	snop;
	(pc) =	sbr.rel @p3 .LBB2_48-.Ltmp14, $2  }
0x1b7: {  	_ =	sdelay $0x2  }
0x1b8: {  	s10 =	smov.u32 s16  }
.LBB2_27:
.Ltmp15:
0x1b9: {  	(pc) =	sbr.rel @p1 .LBB2_34-.Ltmp15, $2  }
0x1ba: {  	_ =	sdelay $0x2  }
0x1bb: {  	s16 =	simm.s32 $0x5D80;
	v7 =	vimm.f32 $-3.000000010e+38;
	v8 =	vmov v2  }
0x1bc: {  	p4 =	sne.s32 s5, $0x1  }
.Ltmp16:
0x1bd: {  	_ = 	snop;
	(pc) =	sbr.rel @!p4 .LBB2_29-.Ltmp16, $2  }
0x1be: {  	_ =	sdelay $0x2  }
0x1bf: {  	s17 =	simm.s32 $0x1;
	p3 =	por $0x0, $0x0  }
0x1c0: {  	v7 =	vld [tilespmem:s16+$0x0];
	p4 =	sne.s32 s5, $0x2  }
.Ltmp17:
0x1c1: {  	_ = 	snop;
	(pc) =	sbr.rel @!p4 .LBB2_31-.Ltmp17, $3  }
0x1c2: {  	_ =	sdelay $0x1  }
0x1c3: {  	s19 =	simm.s32 $0x2  }
0x1c4: {  	s16 =	simm.s32 $0x5D90;
	p3 =	por $0x1, $0x1;
	v8 =	vimm.f32 $-3.000000010e+38;
	s18 =	simm.s32 $0x0;
	v9 =	vimm.s32 $0x0;
	vm11 =	vgt.f32 v7, v0  }
.LBB2_32:
0x1c5: {  	v9 =	vsel vm11, s18, v9;
	s18 =	smov.u32 s17;
	s17 =	smov.u32 s19;
	s19 =	sadd.s32 $0x1, s19  }
0x1c6: {  	v8 =	vsel vm11, v7, v8;
	v7 =	vld [tilespmem:s16+$0x0];
	p4 =	sne.s32 s5, s19  }
.Ltmp18:
0x1c7: {  	(pc) =	sbr.rel @p4 .LBB2_32-.Ltmp18, $2  }
0x1c8: {  	_ =	sdelay $0x2  }
0x1c9: {  	s16 =	sadd.s32 $0x10, s16;
	vm11 =	vgt.f32 v7, v8  }
.LBB2_33:
0x1ca: {  	v10 =	vld [tilespmem:s16+$0x0];
	_ =	sdelay $0x2  }
0x1cb: {  	v7 =	vsel @p3 vm11, v7, v8  }
0x1cc: {  	v8 =	vsel @p3 vm11, s18, v9;
	v7 =	vpsel p3, v7, v0  }
0x1cd: {  	v8 =	vpsel p3, v8, v5;
	vm11 =	vgt.f32 v10, v7  }
0x1ce: {  	v8 =	vsel vm11, s17, v8  }
0x1cf: {  	v8 =	vshll.u32 v8, $0x4  }
0x1d0: {  	v7 =	vsel vm11, v10, v7;
	v8 =	vxor.u32 v2, v8  }
.LBB2_34:
0x1d1: {  	(xrf0) =	vmax.scan.msk.f32 $0xffff, v7;
	_ =	sdelay $0x5  }
0x1d2: {  	v9, _, _ =	vpop (xrf0)  }
0x1d3: {  	v9 =	vbroadcast v9, $0xF;
	_ =	sdelay $0x1  }
0x1d4: {  	vm11 =	veq.f32 v7, v9  }
0x1d5: {  	v7 =	vnsel vm11, $0xC0000000, v8  }
0x1d6: {  	(xrf0) =	vmin.scan.msk.u32 $0xffff, v7;
	_ =	sdelay $0x5  }
0x1d7: {  	v7, _, _ =	vpop (xrf0)  }
0x1d8: {  	(v2sf) =	vpush v7, $0xF;
	_ =	sdelay $0xe  }
0x1d9: {  	s16 =	spop (v2sf)  }
0x1da: {  	s16 =	sxor.u32 $0x80000000, s16  }
0x1db: {  	v7 =	vmov s16;
	_ =	sdelay $0x4  }
0x1dc: {  	v8 =	vld.idx.msk [tilespmem:v7+s12+$0x0], $0xffff;
	_ =	sdelay $0x4  }
0x1dd: {  	v8 =	vxor.u32 $0x80000000, v8  }
0x1de: {  	(xrf0) =	vmax.scan.msk.u32 $0xffff, v8;
	_ =	sdelay $0x5  }
0x1df: {  	v8, _, _ =	vpop (xrf0)  }
0x1e0: {  	(v2sf) =	vpush v8, $0xF;
	_ =	sdelay $0xe  }
0x1e1: {  	v8 =	vld.idx.msk [tilespmem:v7+s6+$0x0], $0xffff;
	s31 =	spop (v2sf)  }
0x1e2: {  	v10 =	vld.idx.msk [tilespmem:v7+s7+$0x0], $0xffff;
	s16 =	sxor.u32 $0x80000000, s31  }
0x1e3: {  	v11 =	vld.idx.msk [tilespmem:v7+s8+$0x0], $0xffff;
	s16 =	scvt.s32.f32 s16  }
0x1e4: {  	v9 =	vnsel vm0, $0x0, v9;
	vm11 =	veq.s32 v1, $0x1;
	v12 =	vld.idx.msk [tilespmem:v7+s9+$0x0], $0xffff  }
0x1e5: {  	v7 =	vld.idx.msk [tilespmem:v7+s11+$0x0], $0xffff;
	v9 =	vsel vm11, s16, v9  }
0x1e6: {  	v8 =	vsel vm1, v9, v8  }
0x1e7: {  	v8 =	vsel vm2, v8, v10  }
0x1e8: {  	s16 =	sadd.s32 $0x1, s10;
	v8 =	vsel vm3, v8, v11  }
0x1e9: {  	s17 =	scvt.s32.f32 s16;
	v8 =	vsel vm4, v8, v12  }
0x1ea: {  	v7 =	vsel vm5, v8, v7  }
0x1eb: {  	v7 =	vnsel vm6, s17, v7  }
0x1ec: {  	[tilespmem:$0x8780] =	vst v7  }
0x1ed: {  	[spmem:s2] =	stream.linear.scatter [tilespmem:s13], [sflag:$0x1], $0x10, $0x38;
	[tilespmem:$0xAC80] =	vst v63  }
0x1ee: {  	_ =	swait.ge [sflag:s14], $0x10  }
0x1ef: {  	[sflag:s14] =	ssyncset.done $0x0  }
0x1f0: {  	[sflag:s14] =	ssyncadd.s32 $0xFFFFFFF0  }
0x1f1: {  	v7 =	vmov s17;
	[bflag:$0x0] =	sbarrier.arrive $0xFFFF  }
.LBB2_35:
0x1f2: {  	[tilespmem:s15], [sflag:$0x1] =	stream.linear.gather [spmem:s1], $0x800, $0x38;
	[tilespmem:$0xAC80] =	vst v63  }
0x1f3: {  	_ =	swait.ge [sflag:s14], $0x800  }
0x1f4: {  	[sflag:s14] =	ssyncset.done $0x0  }
0x1f5: {  	[sflag:s14] =	ssyncadd.s32 $0xFFFFF800  }
0x1f6: {  	v8 =	vld.idx.msk [tilespmem:v4+s15+$0x0], $0xffff;
	_ =	sdelay $0x4  }
0x1f7: {  	vm11 =	veq.f32 v8, v7  }
0x1f8: {  	v8 =	vsel vm11, $0x1, v5  }
0x1f9: {  	(xrf0) =	vadd.scan.msk.s32 $0xffff, v8;
	_ =	sdelay $0x5  }
0x1fa: {  	v8, _, _ =	vpop (xrf0)  }
0x1fb: {  	(v2sf) =	vpush v8, $0xF;
	_ =	sdelay $0xe  }
0x1fc: {  	s17 =	spop (v2sf)  }
0x1fd: {  	p3 =	sne.s32 s17, $0x10  }
.Ltmp19:
0x1fe: {  	_ = 	snop;
	(pc) =	sbr.rel @p3 .LBB2_35-.Ltmp19, $1  }
0x1ff: {  	_ =	sdelay $0x3  }
0x200: {  	_ =	sdelay $0x2  }
0x201: {  	[bflag:$0x0] =	sbarrier.arrive $0xFFFF  }
0x202: {  	v7 =	vld.idx.msk [tilespmem:v3+s15+$0x0], $0xffff;
	_ =	sdelay $0x4  }
0x203: {  	(xrf0) =	vmax.scan.msk.f32 $0xffff, v7;
	_ =	sdelay $0x4  }
0x204: {  	v8 =	vld.idx.msk [tilespmem:v6+s15+$0x0], $0xffff  }
0x205: {  	v9, _, _ =	vpop (xrf0)  }
0x206: {  	v10 =	vbroadcast v9, $0xF;
	_ =	sdelay $0x1  }
0x207: {  	vm11 =	veq.f32 v7, v10  }
0x208: {  	v7 =	vnsel vm11, $0x5D5E0B6B, v8  }
0x209: {  	(xrf0) =	vmin.scan.msk.f32 $0xffff, v7  }
0x20a: {  	(v2sf) =	vpush v9, $0xF;
	_ =	sdelay $0x4  }
0x20b: {  	v7, _, _ =	vpop (xrf0)  }
0x20c: {  	(v2sf) =	vpush v7, $0xF;
	_ =	sdelay $0x8  }
0x20d: {  	s17 =	spop (v2sf)  }
0x20e: {  	p3 =	sgt.f32 s17, $-1.999999940e+38  }
.Ltmp20:
0x20f: {  	_ = 	snop;
	(pc) =	sbr.rel @!p3 .LBB2_47-.Ltmp20, $2  }
0x210: {  	_ =	sdelay $0x2  }
0x211: {  	s17 =	spop (v2sf)  }
0x212: {  	s17 =	scvt.f32.s32 s17;
	_ =	sdelay $0x1  }
0x213: {  	s18 =	smulhi.u32 $0x2E8BA2E9, s17;
	s19 =	sshra.s32 s17, $0x1F  }
0x214: {  	s19 =	smul.u32 $0x2E8BA2E9, s19;
	_ =	sdelay $0x1  }
0x215: {  	s18 =	sadd.s32 s19, s18  }
0x216: {  	s19 =	sshrl.u32 s18, $0x1F;
	s18 =	sshra.s32 s18, $0x8  }
0x217: {  	s18 =	sadd.s32 s19, s18  }
0x218: {  	s19 =	smul.u32 $0xFFFFFA80, s18  }
0x219: {  	s20 =	ssub.s32 $0x0, s17  }
0x21a: {  	p3 =	slt.s32 s17, $0x1;
	p4 =	sne.s32 s19, s20  }
0x21b: {  	p3 =	por !p3, !p4  }
0x21c: {  	s17 =	simm.s32 $0x1;
	p3 =	por !p3, !p3  }
0x21d: {  	s17 =	simm.s32 @!p3 $0x0  }
0x21e: {  	s17 =	ssub.s32 s18, s17  }
0x21f: {  	s17 =	sshll.u32 s17, $0x7  }
0x220: {  	v11 =	vmov s17  }
0x221: {  	v7 =	vor.u32 $0x2, v11  }
0x222: {  	v8 =	vor.u32 $0x3, v11  }
0x223: {  	v9 =	vor.u32 $0x4, v11  }
0x224: {  	v10 =	vor.u32 $0x5, v11  }
.Ltmp21:
0x225: {  	_ = 	snop;
	(pc) =	sbr.rel @p1 .LBB2_44-.Ltmp21, $4  }
0x226: {  	v7 =	vld.idx.msk [tilespmem:v7+s15+$0x0], $0xffff  }
0x227: {  	v8 =	vld.idx.msk [tilespmem:v8+s15+$0x0], $0xffff  }
0x228: {  	v9 =	vld.idx.msk [tilespmem:v9+s15+$0x0], $0xffff  }
0x229: {  	v10 =	vld.idx.msk [tilespmem:v10+s15+$0x0], $0xffff  }
0x22a: {  	v11 =	vor.u32 $0x6, v11;
	s17 =	simm.s32 $0x6380;
	p4 =	sne.s32 s5, $0x1  }
.Ltmp22:
0x22b: {  	s18 =	simm.s32 $0x6F80;
	v13 =	vld [tilespmem:s17+$0x0];
	(pc) =	sbr.rel @!p4 .LBB2_39-.Ltmp22, $4  }
0x22c: {  	s31 =	simm.s32 $0x6980;
	v12 =	vld [tilespmem:s18+$0x0]  }
0x22d: {  	s19 =	simm.s32 $0x7580;
	v14 =	vld [tilespmem:s31+$0x0]  }
0x22e: {  	p3 =	por $0x0, $0x0;
	v15 =	vld [tilespmem:s19+$0x0]  }
0x22f: {  	s18 =	simm.s32 $0x7B80;
	s17 =	simm.s32 $0x5D80;
	s19 =	sadd.s32 $0xFFFFFFFF, s5;
	v11 =	vld.idx.msk [tilespmem:v11+s15+$0x0], $0xffff  }
0x230: {  	_ =	sdelay $0x1  }
0x231: {  	v13 =	vmax.f32 v7, v13  }
0x232: {  	v12 =	vmin.f32 v9, v12;
	v14 =	vmax.f32 v8, v14;
	v15 =	vmin.f32 v10, v15  }
0x233: {  	v12 =	vsub.f32 v12, v13;
	v13 =	vsub.f32 v15, v14;
	v14 =	vld [tilespmem:s18+$0x0];
	_ =	sdelay $0x1  }
0x234: {  	v12 =	vadd.f32 $1.000000000e+00, v12;
	v13 =	vadd.f32 $1.000000000e+00, v13;
	_ =	sdelay $0x1  }
0x235: {  	v12 =	vmax.f32 v12, $0.0e+00;
	v13 =	vmax.f32 v13, $0.0e+00  }
0x236: {  	v12 =	vmul.f32 v13, v12;
	v13 =	vadd.f32 v14, v11;
	v14 =	vld [tilespmem:s17+$0x0];
	_ =	sdelay $0x1  }
0x237: {  	v12 =	vmul.f32 $1.700000050e+00, v12;
	v13 =	vmul.f32 $6.999999880e-01, v13;
	_ =	sdelay $0x1  }
0x238: {  	vm11 =	vgt.f32 v12, v13  }
0x239: {  	p4 =	sne.s32 s19, $0x1;
	v12 =	vsel vm11, $0xFF61B1E6, v14  }
.Ltmp23:
0x23a: {  	s20 =	simm.s32 $0x6390;
	[tilespmem:s17+$0x0] =	vst v12;
	(pc) =	sbr.rel @!p4 .LBB2_41-.Ltmp23, $4  }
0x23b: {  	s21 =	simm.s32 $0x6F90;
	v13 =	vld [tilespmem:s20+$0x0]  }
0x23c: {  	s23 =	simm.s32 $0x6990;
	v12 =	vld [tilespmem:s21+$0x0]  }
0x23d: {  	s24 =	simm.s32 $0x7590;
	s25 =	sadd.s32 $0xFFFFFFFF, s19;
	v14 =	vld [tilespmem:s23+$0x0]  }
0x23e: {  	p3 =	por $0x1, $0x1;
	s22 =	simm.s32 $0x7B80;
	s19 =	simm.s32 $0x5D80;
	v15 =	vld [tilespmem:s24+$0x0]  }
.LBB2_42:
0x23f: {  	p4 =	sne.s32 s25, $0x1;
	_ =	sdelay $0x2  }
0x240: {  	v13 =	vmax.f32 v7, v13  }
0x241: {  	s22 =	sadd.s32 $0x10, s22;
	v12 =	vmin.f32 v9, v12;
	v14 =	vmax.f32 v8, v14;
	v15 =	vmin.f32 v10, v15  }
0x242: {  	v12 =	vsub.f32 v12, v13;
	v13 =	vsub.f32 v15, v14;
	v14 =	vld [tilespmem:s22+$0x0];
	_ =	sdelay $0x1  }
0x243: {  	v12 =	vadd.f32 $1.000000000e+00, v12;
	v13 =	vadd.f32 $1.000000000e+00, v13;
	_ =	sdelay $0x1  }
0x244: {  	s19 =	sadd.s32 $0x10, s19;
	v12 =	vmax.f32 v12, $0.0e+00;
	v13 =	vmax.f32 v13, $0.0e+00  }
0x245: {  	v12 =	vmul.f32 v13, v12;
	v13 =	vadd.f32 v14, v11;
	v14 =	vld [tilespmem:s19+$0x0];
	_ =	sdelay $0x1  }
0x246: {  	v12 =	vmul.f32 $1.700000050e+00, v12;
	v13 =	vmul.f32 $6.999999880e-01, v13;
	_ =	sdelay $0x1  }
0x247: {  	vm11 =	vgt.f32 v12, v13  }
0x248: {  	v12 =	vsel vm11, $0xFF61B1E6, v14  }
.Ltmp24:
0x249: {  	s20 =	sadd.s32 $0x10, s20;
	[tilespmem:s19+$0x0] =	vst v12;
	(pc) =	sbr.rel @p4 .LBB2_42-.Ltmp24, $4  }
0x24a: {  	s21 =	sadd.s32 $0x10, s21;
	v13 =	vld [tilespmem:s20+$0x0]  }
0x24b: {  	s23 =	sadd.s32 $0x10, s23;
	v12 =	vld [tilespmem:s21+$0x0]  }
0x24c: {  	s24 =	sadd.s32 $0x10, s24;
	v14 =	vld [tilespmem:s23+$0x0]  }
0x24d: {  	s25 =	sadd.s32 $0xFFFFFFFF, s25;
	v15 =	vld [tilespmem:s24+$0x0]  }
.LBB2_43:
0x24e: {  	_ =	sdelay $0x2  }
0x24f: {  	s20 =	sadd.s32 @p3 $0x10, s22;
	v13 =	vmax.f32 v7, v13  }
0x250: {  	s18 =	smov.u32 @p3 s20;
	v12 =	vmin.f32 v9, v12;
	v14 =	vmax.f32 v8, v14;
	v15 =	vmin.f32 v10, v15  }
0x251: {  	v62 =	vld [tilespmem:s18+$0x0];
	v12 =	vsub.f32 v12, v13;
	v61 =	vsub.f32 v15, v14;
	_ =	sdelay $0x1  }
0x252: {  	v12 =	vadd.f32 $1.000000000e+00, v12;
	v13 =	vadd.f32 $1.000000000e+00, v61  }
0x253: {  	s18 =	sadd.s32 @p3 $0x10, s19  }
0x254: {  	s17 =	smov.u32 @p3 s18;
	v12 =	vmax.f32 v12, $0.0e+00;
	v13 =	vmax.f32 v13, $0.0e+00  }
0x255: {  	v63 =	vld [tilespmem:s17+$0x0];
	v11 =	vadd.f32 v62, v11;
	v12 =	vmul.f32 v13, v12;
	_ =	sdelay $0x1  }
0x256: {  	v11 =	vmul.f32 $6.999999880e-01, v11;
	v12 =	vmul.f32 $1.700000050e+00, v12;
	_ =	sdelay $0x1  }
0x257: {  	vm11 =	vgt.f32 v12, v11  }
0x258: {  	v11 =	vsel vm11, $0xFF61B1E6, v63  }
0x259: {  	[tilespmem:s17+$0x0] =	vst v11  }
.LBB2_44:
.Ltmp25:
0x25a: {  	(pc) =	sbr.rel @p2 .LBB2_45-.Ltmp25, $1  }
0x25b: {  	_ =	sdelay $0x3  }
0x25c: {  	p3 =	seq.s32 s16, $0x12C  }
.Ltmp26:
0x25d: {  	_ = 	snop;
	(pc) =	sbr.rel @!p3 .LBB2_27-.Ltmp26, $4  }
.Ltmp27:
0x25e: {  	_ = 	snop;
	(pc) =	sbr.rel @p3 .LBB2_50-.Ltmp27, $4  }
0x25f: {  	_ = 	snop  }
0x260: {  	_ = 	snop  }
0x261: {  	s10 =	smov.u32 s16  }
0x262: {  	_ = 	snop  }
.LBB2_45:
0x263: {  	s10 =	sshll.u32 s10, $0x4  }
0x264: {  	p3 =	seq.s32 s16, $0x12C;
	v11 =	vor.u32 s10, v1  }
.Ltmp28:
0x265: {  	v7 =	vsel vm7, $0x0, v7;
	(pc) =	sbr.rel @!p3 .LBB2_27-.Ltmp28, $4  }
.Ltmp29:
0x266: {  	v7 =	vsel vm8, v7, v8;
	(pc) =	sbr.rel @p3 .LBB2_49-.Ltmp29, $4  }
0x267: {  	v7 =	vsel vm9, v7, v9  }
0x268: {  	v7 =	vsel vm10, v7, v10  }
0x269: {  	s10 =	smov.u32 s16;
	[tilespmem:v11+s4+$0x0] =	vst.idx.msk $0x1f, v7  }
0x26a: {  	_ = 	snop  }
.LBB2_29:
.Ltmp30:
0x26b: {  	(pc) =	sbr.rel .LBB2_33-.Ltmp30, $2  }
0x26c: {  	_ =	sdelay $0x2  }
0x26d: {  	v8 =	vimm.f32 $-3.000000010e+38;
	v9 =	vimm.s32 $0x0;
	s17 =	simm.s32 $0x0  }
.LBB2_31:
.Ltmp31:
0x26e: {  	(pc) =	sbr.rel .LBB2_33-.Ltmp31, $2  }
0x26f: {  	_ =	sdelay $0x2  }
0x270: {  	v8 =	vimm.f32 $-3.000000010e+38;
	s18 =	simm.s32 $0x0;
	v9 =	vimm.s32 $0x0  }
.LBB2_39:
.Ltmp32:
0x271: {  	(pc) =	sbr.rel .LBB2_43-.Ltmp32, $2  }
0x272: {  	_ =	sdelay $0x2  }
0x273: {  	s22 =	simm.s32 $0x7B80;
	s19 =	simm.s32 $0x5D80  }
.LBB2_41:
.Ltmp33:
0x274: {  	(pc) =	sbr.rel .LBB2_43-.Ltmp33, $2  }
0x275: {  	_ =	sdelay $0x2  }
0x276: {  	s22 =	simm.s32 $0x7B80;
	s19 =	simm.s32 $0x5D80  }
.LBB2_48:
0x277: {  	_ =	sfence.sel @p0 $0x180000  }
0x278: {  	[bflag:$0x0] =	sbarrier.arrive @p0 $0xFFFF  }
0x279: {  	_ =	strace @p0 $0x90000047  }
0x27a: {  	[bflag:$0x2] =	sbarrier.arrive @p0 $0xFFFF  }
0x27b: {  	_ =	shalt @p0  }
.LBB2_49:
0x27c: {  	s1 =	simm.s32 $0x0;
	s2 =	simm.s32 $0x9880;
	s31 =	simm.s32 $0x1  }
0x27d: {  	[hbm4b:s3+s1] =	stream.linear.scatter [tilespmem:s2], [sflag:$0x1], $0x1300, $0x38;
	[tilespmem:$0xAC80] =	vst v63  }
0x27e: {  	_ =	swait.ge [sflag:s31], $0x1300  }
0x27f: {  	[sflag:s31] =	ssyncset.done $0x0  }
0x280: {  	[sflag:s31] =	ssyncadd.s32 $0xFFFFED00  }
.LBB2_50:
0x281: {  	_ =	sfence.sel $0x180000  }
0x282: {  	[bflag:$0x0] =	sbarrier.arrive $0xFFFF  }
0x283: {  	_ =	strace $0x90000047  }
0x284: {  	s0 =	sadd.s32 @!p0 $0x100000, s0;
	[bflag:$0x2] =	sbarrier.arrive $0xFFFF  }
0x285: {  	[sflag:s0] =	ssyncadd.tile.s32 @!p0 $0x1;
	_ =	shalt  }
.Lfunc_end2:
_tile_overlayer_lowered:
.L_overlay_start_2:
0x286: {  	(tag) =	ssettag $0x2  }
0x287: {  	s0 =	rddreg [dreg:$0x0];
	s2 =	stileid.u32  }
0x288: {  	s1 =	rddreg [dreg:$0x1];
	p0 =	sne.s32 s2, $0x0  }
0x289: {  	s3 =	rddreg [dreg:$0x2];
	[bflag:$0x3] =	sbarrier.arrive $0xFFFF;
	s2 =	simm.s32 @!p0 $0x1C01  }
0x28a: {  	[timem:s3], [sflag:s2] =	dma.local @!p0 [hbm:s0], s1  }
0x28b: {  	s0 =	simm.s32 @!p0 $0x1  }
0x28c: {  	_ =	swait.ge @!p0 [sflag:s0], s1  }
0x28d: {  	s1 =	ssub.s32 @!p0 $0x0, s1;
	[sflag:s0] =	ssyncset.done @!p0 $0x0  }
0x28e: {  	[sflag:s0] =	ssyncadd.s32 @!p0 s1  }
0x28f: {  	[bflag:$0x3] =	sbarrier.arrive $0xFFFF  }
0x290: {  	_ =	shalt  }

</sc_bundles>
